<compile_context>
chip_gen: v7x
topology: tpu7x:2x2x1
jax: 0.10.2.dev20260603
libtpu: 0.0.44.dev20260713+nightly
codegen_flags: <defaults>
</compile_context>

<pallas_src>
import functools

import jax
import jax.numpy as jnp
from jax import lax
from jax.experimental import pallas as pl
from jax.experimental.pallas import tpu as pltpu
from jax.experimental.pallas import tpu_sc as plsc

_B = 128
_S = 197
_LP = 20
_D = 768
_NPOOL = 30
_PROW = _LP * _D
_XROW = _S * _D
_OROW = _PROW + _XROW
_NC = 2
_NS = 16
_NW = _NC * _NS
_HCOL = _XROW // 2
_CW = 4096
_NFULL = _HCOL // _CW
_TAIL = _HCOL - _NFULL * _CW
_NT = _NFULL + 1
_NBUF = 3
_LEAD = 2


def _chunk(c):
    if c < _NFULL:
        return c * _CW, _CW
    return _NFULL * _CW, _TAIL


def _sc_concat(x2, idx3, p2):
    mesh = plsc.VectorSubcoreMesh(core_axis_name="c", subcore_axis_name="s")

    @functools.partial(
        pl.kernel,
        mesh=mesh,
        out_type=jax.ShapeDtypeStruct((_B, _OROW), jnp.float32),
        scratch_types=[
            pltpu.VMEM((2, 2), jnp.int32),
            pltpu.VMEM((2, _PROW), jnp.float32),
            pltpu.VMEM((_NBUF, 8, _CW), jnp.float32),
            pltpu.SemaphoreType.DMA,
            pltpu.SemaphoreType.DMA,
            pltpu.SemaphoreType.DMA,
            pltpu.SemaphoreType.DMA,
            pltpu.SemaphoreType.DMA,
            pltpu.SemaphoreType.DMA,
            pltpu.SemaphoreType.DMA,
        ],
    )
    def body(x_hbm, idx_hbm, p_hbm, out_hbm, idx_v, pbuf, xbuf,
             s_r0, s_r1, s_r2, s_w0, s_w1, s_w2, s_p):
        sem_r = (s_r0, s_r1, s_r2)
        sem_w = (s_w0, s_w1, s_w2)
        wid = lax.axis_index("s") * _NC + lax.axis_index("c")
        grp = wid // 2
        half = lax.rem(wid, 2)
        row0 = pl.multiple_of(grp * 8, 8)
        col0 = half * _HCOL

        def start_read(c, slot):
            o, w = _chunk(c)
            return pltpu.async_copy(
                x_hbm.at[pl.ds(row0, 8), pl.ds(col0 + o, w)],
                xbuf.at[slot, :, pl.ds(0, w)],
                sem_r[slot],
            )

        def start_write(c, slot):
            o, w = _chunk(c)
            return pltpu.async_copy(
                xbuf.at[slot, :, pl.ds(0, w)],
                out_hbm.at[pl.ds(row0, 8), pl.ds(_PROW + col0 + o, w)],
                sem_w[slot],
            )

        reads, writes = {}, {}
        for t in range(_LEAD):
            reads[t] = start_read(t, t % _NBUF)

        pltpu.sync_copy(idx_hbm.at[wid], idx_v)
        for hh in range(2):
            pltpu.async_copy(p_hbm.at[idx_v.at[hh]], pbuf, s_p).wait()
            for ii in range(2):
                pltpu.sync_copy(
                    pbuf.at[ii],
                    out_hbm.at[wid * 4 + hh * 2 + ii, pl.ds(0, _PROW)],
                )

        for t in range(_LEAD, _NT + _LEAD):
            if t < _NT:
                slot = t % _NBUF
                if t >= _NBUF:
                    writes.pop(t - _NBUF).wait()
                reads[t] = start_read(t, slot)
            cw = t - _LEAD
            slot = cw % _NBUF
            reads.pop(cw).wait()
            writes[cw] = start_write(cw, slot)

        for c in sorted(writes):
            writes.pop(c).wait()

    return body(x2, idx3, p2)


def kernel(x, prompt_idx, prompts):
    x2 = x.reshape(_B, _XROW)
    idx3 = prompt_idx.astype(jnp.int32).reshape(_NW, 2, 2)
    p2 = prompts.reshape(_NPOOL, _PROW)
    out = _sc_concat(x2, idx3, p2)
    return out.reshape(_B, _LP + _S, _D)

# --- scband reference (transcript-rebuilt; emitter-appended) ---
"""Pipeline reference for scband-l2-prompt-layer-83167746720019 (READ-ONLY COPY).

The authoritative reference and input builder live on the scoring server;
editing this copy changes nothing except your own understanding.
"""

import jax, jax.numpy as jnp
import numpy as np


def setup_inputs(seed: int = 0) -> dict:
    key = jax.random.key(seed)
    k1, k2, k3 = jax.random.split(key, 3)
    x = jax.random.normal(k1, (128, 197, 768), dtype=jnp.float32)
    prompt_idx = jax.random.randint(k2, (128,), 0, 30, dtype=jnp.int64) if jax.config.jax_enable_x64 else jax.random.randint(k2, (128,), 0, 30, dtype=jnp.int32)
    prompts = jax.random.normal(k3, (30, 20, 768), dtype=jnp.float32) * 0.01
    return {"x": x, "prompt_idx": prompt_idx, "prompts": prompts}


def reference(x, prompt_idx, prompts):
    # x: [B, S, d_model] (3D branch of the torch module)
    # prompt_idx: [B] int indices into the prompt pool
    # prompts: [n_prompts, prompt_length, d_model] learned parameter
    selected_prompts = jnp.take(prompts, prompt_idx, axis=0)  # [B, L, d]
    x_prompted = jnp.concatenate([selected_prompts, x], axis=1)  # [B, L+S, d]
    return x_prompted

if __name__ == "__main__":
    import jax
    _d = setup_inputs()
    print(jax.jit(kernel)(*tuple(_d.values())))

</pallas_src>

<mosaic_0001>
#map = affine_map<(d0, d1) -> (0, 0)>
#map1 = affine_map<(d0, d1) -> (0, 0, 0)>
module attributes {stable_mosaic.version = 14 : i64} {
  func.func @body(%arg0: i32, %arg1: i32, %arg2: memref<128x151296xf32, #tpu.memory_space<hbm>>, %arg3: memref<32x2x2xi32, #tpu.memory_space<hbm>>, %arg4: memref<30x15360xf32, #tpu.memory_space<hbm>>, %arg5: memref<128x166656xf32, #tpu.memory_space<hbm>>, %arg6: memref<2x2xi32, #tpu.memory_space<vmem>>, %arg7: memref<2x15360xf32, #tpu.memory_space<vmem>>, %arg8: memref<3x8x4096xf32, #tpu.memory_space<vmem>>, %arg9: memref<!tpu.dma_semaphore, #tpu.memory_space<semaphore_mem>>, %arg10: memref<!tpu.dma_semaphore, #tpu.memory_space<semaphore_mem>>, %arg11: memref<!tpu.dma_semaphore, #tpu.memory_space<semaphore_mem>>, %arg12: memref<!tpu.dma_semaphore, #tpu.memory_space<semaphore_mem>>, %arg13: memref<!tpu.dma_semaphore, #tpu.memory_space<semaphore_mem>>, %arg14: memref<!tpu.dma_semaphore, #tpu.memory_space<semaphore_mem>>, %arg15: memref<!tpu.dma_semaphore, #tpu.memory_space<semaphore_mem>>) attributes {dimension_semantics = [#tpu.dimension_semantics<core_parallel>, #tpu.dimension_semantics<subcore_parallel>], iteration_bounds = array<i64: 2, 16>, scalar_prefetch = 0 : i64, scratch_operands = 10 : i64, tpu.core_type = #tpu.core_type<sc_vector_subcore>, window_params = [{transform_indices = #map}, {transform_indices = #map1}, {transform_indices = #map}, {transform_indices = #map}]} {
    %mul3A = arith.constant 2 : i32
    %mul3A_0 = arith.muli %arg1, %mul3A : i32
    %add3A = arith.addi %mul3A_0, %arg0 : i32
    %jit3A = arith.constant 2 : i32
    %div3A = arith.divsi %add3A, %jit3A : i32
    %sign3A = arith.constant 0 : i32
    %sign3A_1 = arith.cmpi sgt, %add3A, %sign3A : i32
    %sign3A_2 = arith.extui %sign3A_1 : i1 to i32
    %sign3A_3 = arith.constant 0 : i32
    %sign3A_4 = arith.cmpi slt, %add3A, %sign3A_3 : i32
    %sign3A_5 = arith.extui %sign3A_4 : i1 to i32
    %sign3A_6 = arith.subi %sign3A_2, %sign3A_5 : i32
    %sign3A_7 = arith.constant 0 : i32
    %sign3A_8 = arith.cmpi sgt, %jit3A, %sign3A_7 : i32
    %sign3A_9 = arith.extui %sign3A_8 : i1 to i32
    %sign3A_10 = arith.constant 0 : i32
    %sign3A_11 = arith.cmpi slt, %jit3A, %sign3A_10 : i32
    %sign3A_12 = arith.extui %sign3A_11 : i1 to i32
    %sign3A_13 = arith.subi %sign3A_9, %sign3A_12 : i32
    %ne3A = arith.cmpi ne, %sign3A_6, %sign3A_13 : i32
    %rem3A = arith.remsi %add3A, %jit3A : i32
    %ne3A_14 = arith.constant 0 : i32
    %ne3A_15 = arith.cmpi ne, %rem3A, %ne3A_14 : i32
    %and3A = arith.andi %ne3A, %ne3A_15 : i1
    %sub3A = arith.constant 1 : i32
    %sub3A_16 = arith.subi %div3A, %sub3A : i32
    %select_n3A = arith.select %and3A, %sub3A_16, %div3A : i32
    %rem3A_17 = arith.constant 2 : i32
    %rem3A_18 = arith.remsi %add3A, %rem3A_17 : i32
    %mul3A_19 = arith.constant 8 : i32
    %mul3A_20 = arith.muli %select_n3A, %mul3A_19 : i32
    %multiple_of3A = tpu.assume_multiple %mul3A_20, 8 : i32
    %mul3A_21 = arith.constant 75648 : i32
    %mul3A_22 = arith.muli %rem3A_18, %mul3A_21 : i32
    %add3A_23 = arith.constant 0 : i32
    %add3A_24 = arith.addi %mul3A_22, %add3A_23 : i32
    %dma_start3A = arith.constant 0 : i32
    %dma_start3A_25 = arith.constant 0 : i32
    %dma_start3A_26 = arith.constant 0 : i32
    %dma_start3A_27 = tpu.memref_slice %arg8[%dma_start3A, %dma_start3A_25, %dma_start3A_26] : memref<3x8x4096xf32, #tpu.memory_space<vmem>> -> memref<1x8x4096xf32, #tpu.memory_space<vmem>>
    %dma_start3A_28 = tpu.memref_squeeze %dma_start3A_27 : memref<1x8x4096xf32, #tpu.memory_space<vmem>> -> memref<8x4096xf32, #tpu.memory_space<vmem>>
    %dma_start3A_29 = tpu.memref_slice %arg2[%multiple_of3A, %add3A_24] : memref<128x151296xf32, #tpu.memory_space<hbm>> -> memref<8x4096xf32, #tpu.memory_space<hbm>>
    %dma_start3A_30 = arith.constant 0 : i32
    %dma_start3A_31 = arith.constant 0 : i32
    %dma_start3A_32 = tpu.memref_slice %arg8[%dma_start3A, %dma_start3A_30, %dma_start3A_31] : memref<3x8x4096xf32, #tpu.memory_space<vmem>> -> memref<1x8x4096xf32, #tpu.memory_space<vmem>>
    %dma_start3A_33 = tpu.memref_squeeze %dma_start3A_32 : memref<1x8x4096xf32, #tpu.memory_space<vmem>> -> memref<8x4096xf32, #tpu.memory_space<vmem>>
    %dma_start3A_34 = tpu.memref_slice %arg2[%multiple_of3A, %add3A_24] : memref<128x151296xf32, #tpu.memory_space<hbm>> -> memref<8x4096xf32, #tpu.memory_space<hbm>>
    tpu.enqueue_dma source(%dma_start3A_34 : memref<8x4096xf32, #tpu.memory_space<hbm>>) target(%dma_start3A_33 : memref<8x4096xf32, #tpu.memory_space<vmem>>) target_semaphore(%arg9 : memref<!tpu.dma_semaphore, #tpu.memory_space<semaphore_mem>>)
    %add3A_35 = arith.constant 4096 : i32
    %add3A_36 = arith.addi %mul3A_22, %add3A_35 : i32
    %dma_start3A_37 = arith.constant 1 : i32
    %dma_start3A_38 = arith.constant 0 : i32
    %dma_start3A_39 = arith.constant 0 : i32
    %dma_start3A_40 = tpu.memref_slice %arg8[%dma_start3A_37, %dma_start3A_38, %dma_start3A_39] : memref<3x8x4096xf32, #tpu.memory_space<vmem>> -> memref<1x8x4096xf32, #tpu.memory_space<vmem>>
    %dma_start3A_41 = tpu.memref_squeeze %dma_start3A_40 : memref<1x8x4096xf32, #tpu.memory_space<vmem>> -> memref<8x4096xf32, #tpu.memory_space<vmem>>
    %dma_start3A_42 = tpu.memref_slice %arg2[%multiple_of3A, %add3A_36] : memref<128x151296xf32, #tpu.memory_space<hbm>> -> memref<8x4096xf32, #tpu.memory_space<hbm>>
    %dma_start3A_43 = arith.constant 0 : i32
    %dma_start3A_44 = arith.constant 0 : i32
    %dma_start3A_45 = tpu.memref_slice %arg8[%dma_start3A_37, %dma_start3A_43, %dma_start3A_44] : memref<3x8x4096xf32, #tpu.memory_space<vmem>> -> memref<1x8x4096xf32, #tpu.memory_space<vmem>>
    %dma_start3A_46 = tpu.memref_squeeze %dma_start3A_45 : memref<1x8x4096xf32, #tpu.memory_space<vmem>> -> memref<8x4096xf32, #tpu.memory_space<vmem>>
    %dma_start3A_47 = tpu.memref_slice %arg2[%multiple_of3A, %add3A_36] : memref<128x151296xf32, #tpu.memory_space<hbm>> -> memref<8x4096xf32, #tpu.memory_space<hbm>>
    tpu.enqueue_dma source(%dma_start3A_47 : memref<8x4096xf32, #tpu.memory_space<hbm>>) target(%dma_start3A_46 : memref<8x4096xf32, #tpu.memory_space<vmem>>) target_semaphore(%arg10 : memref<!tpu.dma_semaphore, #tpu.memory_space<semaphore_mem>>)
    "tpu.region"() ({
      %run_scoped3A_1026 = tpu.sem_alloc : memref<!tpu.dma_semaphore, #tpu.memory_space<semaphore_mem>>
      %dma_start3A_1027 = arith.constant 0 : i32
      %dma_start3A_1028 = arith.constant 0 : i32
      %dma_start3A_1029 = tpu.memref_slice %arg3[%add3A, %dma_start3A_1027, %dma_start3A_1028] : memref<32x2x2xi32, #tpu.memory_space<hbm>> -> memref<1x2x2xi32, #tpu.memory_space<hbm>>
      %dma_start3A_1030 = tpu.memref_squeeze %dma_start3A_1029 : memref<1x2x2xi32, #tpu.memory_space<hbm>> -> memref<2x2xi32, #tpu.memory_space<hbm>>
      %dma_start3A_1031 = arith.constant 0 : i32
      %dma_start3A_1032 = arith.constant 0 : i32
      %dma_start3A_1033 = tpu.memref_slice %arg3[%add3A, %dma_start3A_1031, %dma_start3A_1032] : memref<32x2x2xi32, #tpu.memory_space<hbm>> -> memref<1x2x2xi32, #tpu.memory_space<hbm>>
      %dma_start3A_1034 = tpu.memref_squeeze %dma_start3A_1033 : memref<1x2x2xi32, #tpu.memory_space<hbm>> -> memref<2x2xi32, #tpu.memory_space<hbm>>
      tpu.enqueue_dma source(%dma_start3A_1034 : memref<2x2xi32, #tpu.memory_space<hbm>>) target(%arg6 : memref<2x2xi32, #tpu.memory_space<vmem>>) target_semaphore(%run_scoped3A_1026 : memref<!tpu.dma_semaphore, #tpu.memory_space<semaphore_mem>>)
      %dma_wait3A_1035 = arith.constant 0 : i32
      %dma_wait3A_1036 = arith.constant 0 : i32
      %dma_wait3A_1037 = tpu.memref_slice %arg3[%add3A, %dma_wait3A_1035, %dma_wait3A_1036] : memref<32x2x2xi32, #tpu.memory_space<hbm>> -> memref<1x2x2xi32, #tpu.memory_space<hbm>>
      %dma_wait3A_1038 = tpu.memref_squeeze %dma_wait3A_1037 : memref<1x2x2xi32, #tpu.memory_space<hbm>> -> memref<2x2xi32, #tpu.memory_space<hbm>>
      %dma_wait3A_1039 = arith.constant 0 : i32
      %dma_wait3A_1040 = arith.constant 0 : i32
      %dma_wait3A_1041 = tpu.memref_slice %arg3[%add3A, %dma_wait3A_1039, %dma_wait3A_1040] : memref<32x2x2xi32, #tpu.memory_space<hbm>> -> memref<1x2x2xi32, #tpu.memory_space<hbm>>
      %dma_wait3A_1042 = tpu.memref_squeeze %dma_wait3A_1041 : memref<1x2x2xi32, #tpu.memory_space<hbm>> -> memref<2x2xi32, #tpu.memory_space<hbm>>
      tpu.wait_dma2 semaphore(%run_scoped3A_1026 : memref<!tpu.dma_semaphore, #tpu.memory_space<semaphore_mem>>) src(%dma_wait3A_1042 : memref<2x2xi32, #tpu.memory_space<hbm>>) dst(%arg6 : memref<2x2xi32, #tpu.memory_space<vmem>>)
      tpu.yield
    }) : () -> ()
    %dma_start3A_48 = arith.constant 0 : i32
    %dma_start3A_49 = arith.constant 0 : i32
    %dma_start3A_50 = tpu.memref_slice %arg6[%dma_start3A_48, %dma_start3A_49] : memref<2x2xi32, #tpu.memory_space<vmem>> -> memref<1x2xi32, #tpu.memory_space<vmem>>
    %dma_start3A_51 = tpu.memref_squeeze %dma_start3A_50 : memref<1x2xi32, #tpu.memory_space<vmem>> -> memref<2xi32, #tpu.memory_space<vmem>>
    %dma_start3A_52 = arith.constant 0 : i32
    %dma_start3A_53 = arith.constant 0 : i32
    %dma_start3A_54 = tpu.memref_slice %arg4[%dma_start3A_52, %dma_start3A_53] : memref<30x15360xf32, #tpu.memory_space<hbm>> -> memref<30x15360xf32, #tpu.memory_space<hbm>>
    tpu.enqueue_indirect_dma source(%dma_start3A_54 : memref<30x15360xf32, #tpu.memory_space<hbm>>) target(%arg7 : memref<2x15360xf32, #tpu.memory_space<vmem>>) offsets(%dma_start3A_51 : memref<2xi32, #tpu.memory_space<vmem>>) semaphore(%arg15 : memref<!tpu.dma_semaphore, #tpu.memory_space<semaphore_mem>>)
    %dma_wait3A = arith.constant 0 : i32
    %dma_wait3A_55 = arith.constant 0 : i32
    %dma_wait3A_56 = tpu.memref_slice %arg6[%dma_wait3A, %dma_wait3A_55] : memref<2x2xi32, #tpu.memory_space<vmem>> -> memref<1x2xi32, #tpu.memory_space<vmem>>
    %dma_wait3A_57 = tpu.memref_squeeze %dma_wait3A_56 : memref<1x2xi32, #tpu.memory_space<vmem>> -> memref<2xi32, #tpu.memory_space<vmem>>
    %dma_wait3A_58 = arith.constant 0 : i32
    %dma_wait3A_59 = arith.constant 0 : i32
    %dma_wait3A_60 = tpu.memref_slice %arg4[%dma_wait3A_58, %dma_wait3A_59] : memref<30x15360xf32, #tpu.memory_space<hbm>> -> memref<30x15360xf32, #tpu.memory_space<hbm>>
    tpu.wait_indirect_dma semaphore(%arg15 : memref<!tpu.dma_semaphore, #tpu.memory_space<semaphore_mem>>) src(%dma_wait3A_60 : memref<30x15360xf32, #tpu.memory_space<hbm>>) dst(%arg7 : memref<2x15360xf32, #tpu.memory_space<vmem>>)
    %mul3A_61 = arith.constant 4 : i32
    %mul3A_62 = arith.muli %add3A, %mul3A_61 : i32
    %add3A_63 = arith.constant 0 : i32
    %add3A_64 = arith.addi %mul3A_62, %add3A_63 : i32
    %add3A_65 = arith.constant 0 : i32
    %add3A_66 = arith.addi %add3A_64, %add3A_65 : i32
    %run_scoped3A = arith.constant 0 : i32
    "tpu.region"() ({
      %run_scoped3A_1026 = tpu.sem_alloc : memref<!tpu.dma_semaphore, #tpu.memory_space<semaphore_mem>>
      %dma_start3A_1027 = arith.constant 0 : i32
      %dma_start3A_1028 = tpu.memref_slice %arg7[%run_scoped3A, %dma_start3A_1027] : memref<2x15360xf32, #tpu.memory_space<vmem>> -> memref<1x15360xf32, #tpu.memory_space<vmem>>
      %dma_start3A_1029 = tpu.memref_squeeze %dma_start3A_1028 : memref<1x15360xf32, #tpu.memory_space<vmem>> -> memref<15360xf32, #tpu.memory_space<vmem>>
      %dma_start3A_1030 = arith.constant 0 : i32
      %dma_start3A_1031 = tpu.memref_slice %arg5[%add3A_66, %dma_start3A_1030] : memref<128x166656xf32, #tpu.memory_space<hbm>> -> memref<1x15360xf32, #tpu.memory_space<hbm>>
      %dma_start3A_1032 = tpu.memref_squeeze %dma_start3A_1031 : memref<1x15360xf32, #tpu.memory_space<hbm>> -> memref<15360xf32, #tpu.memory_space<hbm>>
      %dma_start3A_1033 = arith.constant 0 : i32
      %dma_start3A_1034 = tpu.memref_slice %arg5[%add3A_66, %dma_start3A_1033] : memref<128x166656xf32, #tpu.memory_space<hbm>> -> memref<1x15360xf32, #tpu.memory_space<hbm>>
      %dma_start3A_1035 = tpu.memref_squeeze %dma_start3A_1034 : memref<1x15360xf32, #tpu.memory_space<hbm>> -> memref<15360xf32, #tpu.memory_space<hbm>>
      %dma_start3A_1036 = arith.constant 0 : i32
      %dma_start3A_1037 = tpu.memref_slice %arg7[%run_scoped3A, %dma_start3A_1036] : memref<2x15360xf32, #tpu.memory_space<vmem>> -> memref<1x15360xf32, #tpu.memory_space<vmem>>
      %dma_start3A_1038 = tpu.memref_squeeze %dma_start3A_1037 : memref<1x15360xf32, #tpu.memory_space<vmem>> -> memref<15360xf32, #tpu.memory_space<vmem>>
      tpu.enqueue_dma source(%dma_start3A_1038 : memref<15360xf32, #tpu.memory_space<vmem>>) target(%dma_start3A_1035 : memref<15360xf32, #tpu.memory_space<hbm>>) target_semaphore(%run_scoped3A_1026 : memref<!tpu.dma_semaphore, #tpu.memory_space<semaphore_mem>>)
      %dma_wait3A_1039 = arith.constant 0 : i32
      %dma_wait3A_1040 = tpu.memref_slice %arg7[%run_scoped3A, %dma_wait3A_1039] : memref<2x15360xf32, #tpu.memory_space<vmem>> -> memref<1x15360xf32, #tpu.memory_space<vmem>>
      %dma_wait3A_1041 = tpu.memref_squeeze %dma_wait3A_1040 : memref<1x15360xf32, #tpu.memory_space<vmem>> -> memref<15360xf32, #tpu.memory_space<vmem>>
      %dma_wait3A_1042 = arith.constant 0 : i32
      %dma_wait3A_1043 = tpu.memref_slice %arg5[%add3A_66, %dma_wait3A_1042] : memref<128x166656xf32, #tpu.memory_space<hbm>> -> memref<1x15360xf32, #tpu.memory_space<hbm>>
      %dma_wait3A_1044 = tpu.memref_squeeze %dma_wait3A_1043 : memref<1x15360xf32, #tpu.memory_space<hbm>> -> memref<15360xf32, #tpu.memory_space<hbm>>
      %dma_wait3A_1045 = arith.constant 0 : i32
      %dma_wait3A_1046 = tpu.memref_slice %arg5[%add3A_66, %dma_wait3A_1045] : memref<128x166656xf32, #tpu.memory_space<hbm>> -> memref<1x15360xf32, #tpu.memory_space<hbm>>
      %dma_wait3A_1047 = tpu.memref_squeeze %dma_wait3A_1046 : memref<1x15360xf32, #tpu.memory_space<hbm>> -> memref<15360xf32, #tpu.memory_space<hbm>>
      %dma_wait3A_1048 = arith.constant 0 : i32
      %dma_wait3A_1049 = tpu.memref_slice %arg7[%run_scoped3A, %dma_wait3A_1048] : memref<2x15360xf32, #tpu.memory_space<vmem>> -> memref<1x15360xf32, #tpu.memory_space<vmem>>
      %dma_wait3A_1050 = tpu.memref_squeeze %dma_wait3A_1049 : memref<1x15360xf32, #tpu.memory_space<vmem>> -> memref<15360xf32, #tpu.memory_space<vmem>>
      tpu.wait_dma2 semaphore(%run_scoped3A_1026 : memref<!tpu.dma_semaphore, #tpu.memory_space<semaphore_mem>>) src(%dma_wait3A_1050 : memref<15360xf32, #tpu.memory_space<vmem>>) dst(%dma_wait3A_1047 : memref<15360xf32, #tpu.memory_space<hbm>>)
      tpu.yield
    }) : () -> ()
    %mul3A_67 = arith.constant 4 : i32
    %mul3A_68 = arith.muli %add3A, %mul3A_67 : i32
    %add3A_69 = arith.constant 0 : i32
    %add3A_70 = arith.addi %mul3A_68, %add3A_69 : i32
    %add3A_71 = arith.constant 1 : i32
    %add3A_72 = arith.addi %add3A_70, %add3A_71 : i32
    %run_scoped3A_73 = arith.constant 1 : i32
    "tpu.region"() ({
      %run_scoped3A_1026 = tpu.sem_alloc : memref<!tpu.dma_semaphore, #tpu.memory_space<semaphore_mem>>
      %dma_start3A_1027 = arith.constant 0 : i32
      %dma_start3A_1028 = tpu.memref_slice %arg7[%run_scoped3A_73, %dma_start3A_1027] : memref<2x15360xf32, #tpu.memory_space<vmem>> -> memref<1x15360xf32, #tpu.memory_space<vmem>>
      %dma_start3A_1029 = tpu.memref_squeeze %dma_start3A_1028 : memref<1x15360xf32, #tpu.memory_space<vmem>> -> memref<15360xf32, #tpu.memory_space<vmem>>
      %dma_start3A_1030 = arith.constant 0 : i32
      %dma_start3A_1031 = tpu.memref_slice %arg5[%add3A_72, %dma_start3A_1030] : memref<128x166656xf32, #tpu.memory_space<hbm>> -> memref<1x15360xf32, #tpu.memory_space<hbm>>
      %dma_start3A_1032 = tpu.memref_squeeze %dma_start3A_1031 : memref<1x15360xf32, #tpu.memory_space<hbm>> -> memref<15360xf32, #tpu.memory_space<hbm>>
      %dma_start3A_1033 = arith.constant 0 : i32
      %dma_start3A_1034 = tpu.memref_slice %arg5[%add3A_72, %dma_start3A_1033] : memref<128x166656xf32, #tpu.memory_space<hbm>> -> memref<1x15360xf32, #tpu.memory_space<hbm>>
      %dma_start3A_1035 = tpu.memref_squeeze %dma_start3A_1034 : memref<1x15360xf32, #tpu.memory_space<hbm>> -> memref<15360xf32, #tpu.memory_space<hbm>>
      %dma_start3A_1036 = arith.constant 0 : i32
      %dma_start3A_1037 = tpu.memref_slice %arg7[%run_scoped3A_73, %dma_start3A_1036] : memref<2x15360xf32, #tpu.memory_space<vmem>> -> memref<1x15360xf32, #tpu.memory_space<vmem>>
      %dma_start3A_1038 = tpu.memref_squeeze %dma_start3A_1037 : memref<1x15360xf32, #tpu.memory_space<vmem>> -> memref<15360xf32, #tpu.memory_space<vmem>>
      tpu.enqueue_dma source(%dma_start3A_1038 : memref<15360xf32, #tpu.memory_space<vmem>>) target(%dma_start3A_1035 : memref<15360xf32, #tpu.memory_space<hbm>>) target_semaphore(%run_scoped3A_1026 : memref<!tpu.dma_semaphore, #tpu.memory_space<semaphore_mem>>)
      %dma_wait3A_1039 = arith.constant 0 : i32
      %dma_wait3A_1040 = tpu.memref_slice %arg7[%run_scoped3A_73, %dma_wait3A_1039] : memref<2x15360xf32, #tpu.memory_space<vmem>> -> memref<1x15360xf32, #tpu.memory_space<vmem>>
      %dma_wait3A_1041 = tpu.memref_squeeze %dma_wait3A_1040 : memref<1x15360xf32, #tpu.memory_space<vmem>> -> memref<15360xf32, #tpu.memory_space<vmem>>
      %dma_wait3A_1042 = arith.constant 0 : i32
      %dma_wait3A_1043 = tpu.memref_slice %arg5[%add3A_72, %dma_wait3A_1042] : memref<128x166656xf32, #tpu.memory_space<hbm>> -> memref<1x15360xf32, #tpu.memory_space<hbm>>
      %dma_wait3A_1044 = tpu.memref_squeeze %dma_wait3A_1043 : memref<1x15360xf32, #tpu.memory_space<hbm>> -> memref<15360xf32, #tpu.memory_space<hbm>>
      %dma_wait3A_1045 = arith.constant 0 : i32
      %dma_wait3A_1046 = tpu.memref_slice %arg5[%add3A_72, %dma_wait3A_1045] : memref<128x166656xf32, #tpu.memory_space<hbm>> -> memref<1x15360xf32, #tpu.memory_space<hbm>>
      %dma_wait3A_1047 = tpu.memref_squeeze %dma_wait3A_1046 : memref<1x15360xf32, #tpu.memory_space<hbm>> -> memref<15360xf32, #tpu.memory_space<hbm>>
      %dma_wait3A_1048 = arith.constant 0 : i32
      %dma_wait3A_1049 = tpu.memref_slice %arg7[%run_scoped3A_73, %dma_wait3A_1048] : memref<2x15360xf32, #tpu.memory_space<vmem>> -> memref<1x15360xf32, #tpu.memory_space<vmem>>
      %dma_wait3A_1050 = tpu.memref_squeeze %dma_wait3A_1049 : memref<1x15360xf32, #tpu.memory_space<vmem>> -> memref<15360xf32, #tpu.memory_space<vmem>>
      tpu.wait_dma2 semaphore(%run_scoped3A_1026 : memref<!tpu.dma_semaphore, #tpu.memory_space<semaphore_mem>>) src(%dma_wait3A_1050 : memref<15360xf32, #tpu.memory_space<vmem>>) dst(%dma_wait3A_1047 : memref<15360xf32, #tpu.memory_space<hbm>>)
      tpu.yield
    }) : () -> ()
    %dma_start3A_74 = arith.constant 1 : i32
    %dma_start3A_75 = arith.constant 0 : i32
    %dma_start3A_76 = tpu.memref_slice %arg6[%dma_start3A_74, %dma_start3A_75] : memref<2x2xi32, #tpu.memory_space<vmem>> -> memref<1x2xi32, #tpu.memory_space<vmem>>
    %dma_start3A_77 = tpu.memref_squeeze %dma_start3A_76 : memref<1x2xi32, #tpu.memory_space<vmem>> -> memref<2xi32, #tpu.memory_space<vmem>>
    %dma_start3A_78 = arith.constant 0 : i32
    %dma_start3A_79 = arith.constant 0 : i32
    %dma_start3A_80 = tpu.memref_slice %arg4[%dma_start3A_78, %dma_start3A_79] : memref<30x15360xf32, #tpu.memory_space<hbm>> -> memref<30x15360xf32, #tpu.memory_space<hbm>>
    tpu.enqueue_indirect_dma source(%dma_start3A_80 : memref<30x15360xf32, #tpu.memory_space<hbm>>) target(%arg7 : memref<2x15360xf32, #tpu.memory_space<vmem>>) offsets(%dma_start3A_77 : memref<2xi32, #tpu.memory_space<vmem>>) semaphore(%arg15 : memref<!tpu.dma_semaphore, #tpu.memory_space<semaphore_mem>>)
    %dma_wait3A_81 = arith.constant 1 : i32
    %dma_wait3A_82 = arith.constant 0 : i32
    %dma_wait3A_83 = tpu.memref_slice %arg6[%dma_wait3A_81, %dma_wait3A_82] : memref<2x2xi32, #tpu.memory_space<vmem>> -> memref<1x2xi32, #tpu.memory_space<vmem>>
    %dma_wait3A_84 = tpu.memref_squeeze %dma_wait3A_83 : memref<1x2xi32, #tpu.memory_space<vmem>> -> memref<2xi32, #tpu.memory_space<vmem>>
    %dma_wait3A_85 = arith.constant 0 : i32
    %dma_wait3A_86 = arith.constant 0 : i32
    %dma_wait3A_87 = tpu.memref_slice %arg4[%dma_wait3A_85, %dma_wait3A_86] : memref<30x15360xf32, #tpu.memory_space<hbm>> -> memref<30x15360xf32, #tpu.memory_space<hbm>>
    tpu.wait_indirect_dma semaphore(%arg15 : memref<!tpu.dma_semaphore, #tpu.memory_space<semaphore_mem>>) src(%dma_wait3A_87 : memref<30x15360xf32, #tpu.memory_space<hbm>>) dst(%arg7 : memref<2x15360xf32, #tpu.memory_space<vmem>>)
    %mul3A_88 = arith.constant 4 : i32
    %mul3A_89 = arith.muli %add3A, %mul3A_88 : i32
    %add3A_90 = arith.constant 2 : i32
    %add3A_91 = arith.addi %mul3A_89, %add3A_90 : i32
    %add3A_92 = arith.constant 0 : i32
    %add3A_93 = arith.addi %add3A_91, %add3A_92 : i32
    %run_scoped3A_94 = arith.constant 0 : i32
    "tpu.region"() ({
      %run_scoped3A_1026 = tpu.sem_alloc : memref<!tpu.dma_semaphore, #tpu.memory_space<semaphore_mem>>
      %dma_start3A_1027 = arith.constant 0 : i32
      %dma_start3A_1028 = tpu.memref_slice %arg7[%run_scoped3A_94, %dma_start3A_1027] : memref<2x15360xf32, #tpu.memory_space<vmem>> -> memref<1x15360xf32, #tpu.memory_space<vmem>>
      %dma_start3A_1029 = tpu.memref_squeeze %dma_start3A_1028 : memref<1x15360xf32, #tpu.memory_space<vmem>> -> memref<15360xf32, #tpu.memory_space<vmem>>
      %dma_start3A_1030 = arith.constant 0 : i32
      %dma_start3A_1031 = tpu.memref_slice %arg5[%add3A_93, %dma_start3A_1030] : memref<128x166656xf32, #tpu.memory_space<hbm>> -> memref<1x15360xf32, #tpu.memory_space<hbm>>
      %dma_start3A_1032 = tpu.memref_squeeze %dma_start3A_1031 : memref<1x15360xf32, #tpu.memory_space<hbm>> -> memref<15360xf32, #tpu.memory_space<hbm>>
      %dma_start3A_1033 = arith.constant 0 : i32
      %dma_start3A_1034 = tpu.memref_slice %arg5[%add3A_93, %dma_start3A_1033] : memref<128x166656xf32, #tpu.memory_space<hbm>> -> memref<1x15360xf32, #tpu.memory_space<hbm>>
      %dma_start3A_1035 = tpu.memref_squeeze %dma_start3A_1034 : memref<1x15360xf32, #tpu.memory_space<hbm>> -> memref<15360xf32, #tpu.memory_space<hbm>>
      %dma_start3A_1036 = arith.constant 0 : i32
      %dma_start3A_1037 = tpu.memref_slice %arg7[%run_scoped3A_94, %dma_start3A_1036] : memref<2x15360xf32, #tpu.memory_space<vmem>> -> memref<1x15360xf32, #tpu.memory_space<vmem>>
      %dma_start3A_1038 = tpu.memref_squeeze %dma_start3A_1037 : memref<1x15360xf32, #tpu.memory_space<vmem>> -> memref<15360xf32, #tpu.memory_space<vmem>>
      tpu.enqueue_dma source(%dma_start3A_1038 : memref<15360xf32, #tpu.memory_space<vmem>>) target(%dma_start3A_1035 : memref<15360xf32, #tpu.memory_space<hbm>>) target_semaphore(%run_scoped3A_1026 : memref<!tpu.dma_semaphore, #tpu.memory_space<semaphore_mem>>)
      %dma_wait3A_1039 = arith.constant 0 : i32
      %dma_wait3A_1040 = tpu.memref_slice %arg7[%run_scoped3A_94, %dma_wait3A_1039] : memref<2x15360xf32, #tpu.memory_space<vmem>> -> memref<1x15360xf32, #tpu.memory_space<vmem>>
      %dma_wait3A_1041 = tpu.memref_squeeze %dma_wait3A_1040 : memref<1x15360xf32, #tpu.memory_space<vmem>> -> memref<15360xf32, #tpu.memory_space<vmem>>
      %dma_wait3A_1042 = arith.constant 0 : i32
      %dma_wait3A_1043 = tpu.memref_slice %arg5[%add3A_93, %dma_wait3A_1042] : memref<128x166656xf32, #tpu.memory_space<hbm>> -> memref<1x15360xf32, #tpu.memory_space<hbm>>
      %dma_wait3A_1044 = tpu.memref_squeeze %dma_wait3A_1043 : memref<1x15360xf32, #tpu.memory_space<hbm>> -> memref<15360xf32, #tpu.memory_space<hbm>>
      %dma_wait3A_1045 = arith.constant 0 : i32
      %dma_wait3A_1046 = tpu.memref_slice %arg5[%add3A_93, %dma_wait3A_1045] : memref<128x166656xf32, #tpu.memory_space<hbm>> -> memref<1x15360xf32, #tpu.memory_space<hbm>>
      %dma_wait3A_1047 = tpu.memref_squeeze %dma_wait3A_1046 : memref<1x15360xf32, #tpu.memory_space<hbm>> -> memref<15360xf32, #tpu.memory_space<hbm>>
      %dma_wait3A_1048 = arith.constant 0 : i32
      %dma_wait3A_1049 = tpu.memref_slice %arg7[%run_scoped3A_94, %dma_wait3A_1048] : memref<2x15360xf32, #tpu.memory_space<vmem>> -> memref<1x15360xf32, #tpu.memory_space<vmem>>
      %dma_wait3A_1050 = tpu.memref_squeeze %dma_wait3A_1049 : memref<1x15360xf32, #tpu.memory_space<vmem>> -> memref<15360xf32, #tpu.memory_space<vmem>>
      tpu.wait_dma2 semaphore(%run_scoped3A_1026 : memref<!tpu.dma_semaphore, #tpu.memory_space<semaphore_mem>>) src(%dma_wait3A_1050 : memref<15360xf32, #tpu.memory_space<vmem>>) dst(%dma_wait3A_1047 : memref<15360xf32, #tpu.memory_space<hbm>>)
      tpu.yield
    }) : () -> ()
    %mul3A_95 = arith.constant 4 : i32
    %mul3A_96 = arith.muli %add3A, %mul3A_95 : i32
    %add3A_97 = arith.constant 2 : i32
    %add3A_98 = arith.addi %mul3A_96, %add3A_97 : i32
    %add3A_99 = arith.constant 1 : i32
    %add3A_100 = arith.addi %add3A_98, %add3A_99 : i32
    %run_scoped3A_101 = arith.constant 1 : i32
    "tpu.region"() ({
      %run_scoped3A_1026 = tpu.sem_alloc : memref<!tpu.dma_semaphore, #tpu.memory_space<semaphore_mem>>
      %dma_start3A_1027 = arith.constant 0 : i32
      %dma_start3A_1028 = tpu.memref_slice %arg7[%run_scoped3A_101, %dma_start3A_1027] : memref<2x15360xf32, #tpu.memory_space<vmem>> -> memref<1x15360xf32, #tpu.memory_space<vmem>>
      %dma_start3A_1029 = tpu.memref_squeeze %dma_start3A_1028 : memref<1x15360xf32, #tpu.memory_space<vmem>> -> memref<15360xf32, #tpu.memory_space<vmem>>
      %dma_start3A_1030 = arith.constant 0 : i32
      %dma_start3A_1031 = tpu.memref_slice %arg5[%add3A_100, %dma_start3A_1030] : memref<128x166656xf32, #tpu.memory_space<hbm>> -> memref<1x15360xf32, #tpu.memory_space<hbm>>
      %dma_start3A_1032 = tpu.memref_squeeze %dma_start3A_1031 : memref<1x15360xf32, #tpu.memory_space<hbm>> -> memref<15360xf32, #tpu.memory_space<hbm>>
      %dma_start3A_1033 = arith.constant 0 : i32
      %dma_start3A_1034 = tpu.memref_slice %arg5[%add3A_100, %dma_start3A_1033] : memref<128x166656xf32, #tpu.memory_space<hbm>> -> memref<1x15360xf32, #tpu.memory_space<hbm>>
      %dma_start3A_1035 = tpu.memref_squeeze %dma_start3A_1034 : memref<1x15360xf32, #tpu.memory_space<hbm>> -> memref<15360xf32, #tpu.memory_space<hbm>>
      %dma_start3A_1036 = arith.constant 0 : i32
      %dma_start3A_1037 = tpu.memref_slice %arg7[%run_scoped3A_101, %dma_start3A_1036] : memref<2x15360xf32, #tpu.memory_space<vmem>> -> memref<1x15360xf32, #tpu.memory_space<vmem>>
      %dma_start3A_1038 = tpu.memref_squeeze %dma_start3A_1037 : memref<1x15360xf32, #tpu.memory_space<vmem>> -> memref<15360xf32, #tpu.memory_space<vmem>>
      tpu.enqueue_dma source(%dma_start3A_1038 : memref<15360xf32, #tpu.memory_space<vmem>>) target(%dma_start3A_1035 : memref<15360xf32, #tpu.memory_space<hbm>>) target_semaphore(%run_scoped3A_1026 : memref<!tpu.dma_semaphore, #tpu.memory_space<semaphore_mem>>)
      %dma_wait3A_1039 = arith.constant 0 : i32
      %dma_wait3A_1040 = tpu.memref_slice %arg7[%run_scoped3A_101, %dma_wait3A_1039] : memref<2x15360xf32, #tpu.memory_space<vmem>> -> memref<1x15360xf32, #tpu.memory_space<vmem>>
      %dma_wait3A_1041 = tpu.memref_squeeze %dma_wait3A_1040 : memref<1x15360xf32, #tpu.memory_space<vmem>> -> memref<15360xf32, #tpu.memory_space<vmem>>
      %dma_wait3A_1042 = arith.constant 0 : i32
      %dma_wait3A_1043 = tpu.memref_slice %arg5[%add3A_100, %dma_wait3A_1042] : memref<128x166656xf32, #tpu.memory_space<hbm>> -> memref<1x15360xf32, #tpu.memory_space<hbm>>
      %dma_wait3A_1044 = tpu.memref_squeeze %dma_wait3A_1043 : memref<1x15360xf32, #tpu.memory_space<hbm>> -> memref<15360xf32, #tpu.memory_space<hbm>>
      %dma_wait3A_1045 = arith.constant 0 : i32
      %dma_wait3A_1046 = tpu.memref_slice %arg5[%add3A_100, %dma_wait3A_1045] : memref<128x166656xf32, #tpu.memory_space<hbm>> -> memref<1x15360xf32, #tpu.memory_space<hbm>>
      %dma_wait3A_1047 = tpu.memref_squeeze %dma_wait3A_1046 : memref<1x15360xf32, #tpu.memory_space<hbm>> -> memref<15360xf32, #tpu.memory_space<hbm>>
      %dma_wait3A_1048 = arith.constant 0 : i32
      %dma_wait3A_1049 = tpu.memref_slice %arg7[%run_scoped3A_101, %dma_wait3A_1048] : memref<2x15360xf32, #tpu.memory_space<vmem>> -> memref<1x15360xf32, #tpu.memory_space<vmem>>
      %dma_wait3A_1050 = tpu.memref_squeeze %dma_wait3A_1049 : memref<1x15360xf32, #tpu.memory_space<vmem>> -> memref<15360xf32, #tpu.memory_space<vmem>>
      tpu.wait_dma2 semaphore(%run_scoped3A_1026 : memref<!tpu.dma_semaphore, #tpu.memory_space<semaphore_mem>>) src(%dma_wait3A_1050 : memref<15360xf32, #tpu.memory_space<vmem>>) dst(%dma_wait3A_1047 : memref<15360xf32, #tpu.memory_space<hbm>>)
      tpu.yield
    }) : () -> ()
    %add3A_102 = arith.constant 8192 : i32
    %add3A_103 = arith.addi %mul3A_22, %add3A_102 : i32
    %dma_start3A_104 = arith.constant 2 : i32
    %dma_start3A_105 = arith.constant 0 : i32
    %dma_start3A_106 = arith.constant 0 : i32
    %dma_start3A_107 = tpu.memref_slice %arg8[%dma_start3A_104, %dma_start3A_105, %dma_start3A_106] : memref<3x8x4096xf32, #tpu.memory_space<vmem>> -> memref<1x8x4096xf32, #tpu.memory_space<vmem>>
    %dma_start3A_108 = tpu.memref_squeeze %dma_start3A_107 : memref<1x8x4096xf32, #tpu.memory_space<vmem>> -> memref<8x4096xf32, #tpu.memory_space<vmem>>
    %dma_start3A_109 = tpu.memref_slice %arg2[%multiple_of3A, %add3A_103] : memref<128x151296xf32, #tpu.memory_space<hbm>> -> memref<8x4096xf32, #tpu.memory_space<hbm>>
    %dma_start3A_110 = arith.constant 0 : i32
    %dma_start3A_111 = arith.constant 0 : i32
    %dma_start3A_112 = tpu.memref_slice %arg8[%dma_start3A_104, %dma_start3A_110, %dma_start3A_111] : memref<3x8x4096xf32, #tpu.memory_space<vmem>> -> memref<1x8x4096xf32, #tpu.memory_space<vmem>>
    %dma_start3A_113 = tpu.memref_squeeze %dma_start3A_112 : memref<1x8x4096xf32, #tpu.memory_space<vmem>> -> memref<8x4096xf32, #tpu.memory_space<vmem>>
    %dma_start3A_114 = tpu.memref_slice %arg2[%multiple_of3A, %add3A_103] : memref<128x151296xf32, #tpu.memory_space<hbm>> -> memref<8x4096xf32, #tpu.memory_space<hbm>>
    tpu.enqueue_dma source(%dma_start3A_114 : memref<8x4096xf32, #tpu.memory_space<hbm>>) target(%dma_start3A_113 : memref<8x4096xf32, #tpu.memory_space<vmem>>) target_semaphore(%arg11 : memref<!tpu.dma_semaphore, #tpu.memory_space<semaphore_mem>>)
    %dma_wait3A_115 = arith.constant 0 : i32
    %dma_wait3A_116 = arith.constant 0 : i32
    %dma_wait3A_117 = arith.constant 0 : i32
    %dma_wait3A_118 = tpu.memref_slice %arg8[%dma_wait3A_115, %dma_wait3A_116, %dma_wait3A_117] : memref<3x8x4096xf32, #tpu.memory_space<vmem>> -> memref<1x8x4096xf32, #tpu.memory_space<vmem>>
    %dma_wait3A_119 = tpu.memref_squeeze %dma_wait3A_118 : memref<1x8x4096xf32, #tpu.memory_space<vmem>> -> memref<8x4096xf32, #tpu.memory_space<vmem>>
    %dma_wait3A_120 = tpu.memref_slice %arg2[%multiple_of3A, %add3A_24] : memref<128x151296xf32, #tpu.memory_space<hbm>> -> memref<8x4096xf32, #tpu.memory_space<hbm>>
    %dma_wait3A_121 = arith.constant 0 : i32
    %dma_wait3A_122 = arith.constant 0 : i32
    %dma_wait3A_123 = tpu.memref_slice %arg8[%dma_wait3A_115, %dma_wait3A_121, %dma_wait3A_122] : memref<3x8x4096xf32, #tpu.memory_space<vmem>> -> memref<1x8x4096xf32, #tpu.memory_space<vmem>>
    %dma_wait3A_124 = tpu.memref_squeeze %dma_wait3A_123 : memref<1x8x4096xf32, #tpu.memory_space<vmem>> -> memref<8x4096xf32, #tpu.memory_space<vmem>>
    %dma_wait3A_125 = tpu.memref_slice %arg2[%multiple_of3A, %add3A_24] : memref<128x151296xf32, #tpu.memory_space<hbm>> -> memref<8x4096xf32, #tpu.memory_space<hbm>>
    tpu.wait_dma2 semaphore(%arg9 : memref<!tpu.dma_semaphore, #tpu.memory_space<semaphore_mem>>) src(%dma_wait3A_125 : memref<8x4096xf32, #tpu.memory_space<hbm>>) dst(%dma_wait3A_124 : memref<8x4096xf32, #tpu.memory_space<vmem>>)
    %add3A_126 = arith.constant 15360 : i32
    %add3A_127 = arith.addi %add3A_126, %mul3A_22 : i32
    %add3A_128 = arith.constant 0 : i32
    %add3A_129 = arith.addi %add3A_127, %add3A_128 : i32
    %dma_start3A_130 = arith.constant 0 : i32
    %dma_start3A_131 = arith.constant 0 : i32
    %dma_start3A_132 = arith.constant 0 : i32
    %dma_start3A_133 = tpu.memref_slice %arg8[%dma_start3A_130, %dma_start3A_131, %dma_start3A_132] : memref<3x8x4096xf32, #tpu.memory_space<vmem>> -> memref<1x8x4096xf32, #tpu.memory_space<vmem>>
    %dma_start3A_134 = tpu.memref_squeeze %dma_start3A_133 : memref<1x8x4096xf32, #tpu.memory_space<vmem>> -> memref<8x4096xf32, #tpu.memory_space<vmem>>
    %dma_start3A_135 = tpu.memref_slice %arg5[%multiple_of3A, %add3A_129] : memref<128x166656xf32, #tpu.memory_space<hbm>> -> memref<8x4096xf32, #tpu.memory_space<hbm>>
    %dma_start3A_136 = tpu.memref_slice %arg5[%multiple_of3A, %add3A_129] : memref<128x166656xf32, #tpu.memory_space<hbm>> -> memref<8x4096xf32, #tpu.memory_space<hbm>>
    %dma_start3A_137 = arith.constant 0 : i32
    %dma_start3A_138 = arith.constant 0 : i32
    %dma_start3A_139 = tpu.memref_slice %arg8[%dma_start3A_130, %dma_start3A_137, %dma_start3A_138] : memref<3x8x4096xf32, #tpu.memory_space<vmem>> -> memref<1x8x4096xf32, #tpu.memory_space<vmem>>
    %dma_start3A_140 = tpu.memref_squeeze %dma_start3A_139 : memref<1x8x4096xf32, #tpu.memory_space<vmem>> -> memref<8x4096xf32, #tpu.memory_space<vmem>>
    tpu.enqueue_dma source(%dma_start3A_140 : memref<8x4096xf32, #tpu.memory_space<vmem>>) target(%dma_start3A_136 : memref<8x4096xf32, #tpu.memory_space<hbm>>) target_semaphore(%arg12 : memref<!tpu.dma_semaphore, #tpu.memory_space<semaphore_mem>>)
    %dma_wait3A_141 = arith.constant 0 : i32
    %dma_wait3A_142 = arith.constant 0 : i32
    %dma_wait3A_143 = arith.constant 0 : i32
    %dma_wait3A_144 = tpu.memref_slice %arg8[%dma_wait3A_141, %dma_wait3A_142, %dma_wait3A_143] : memref<3x8x4096xf32, #tpu.memory_space<vmem>> -> memref<1x8x4096xf32, #tpu.memory_space<vmem>>
    %dma_wait3A_145 = tpu.memref_squeeze %dma_wait3A_144 : memref<1x8x4096xf32, #tpu.memory_space<vmem>> -> memref<8x4096xf32, #tpu.memory_space<vmem>>
    %dma_wait3A_146 = tpu.memref_slice %arg5[%multiple_of3A, %add3A_129] : memref<128x166656xf32, #tpu.memory_space<hbm>> -> memref<8x4096xf32, #tpu.memory_space<hbm>>
    %dma_wait3A_147 = tpu.memref_slice %arg5[%multiple_of3A, %add3A_129] : memref<128x166656xf32, #tpu.memory_space<hbm>> -> memref<8x4096xf32, #tpu.memory_space<hbm>>
    %dma_wait3A_148 = arith.constant 0 : i32
    %dma_wait3A_149 = arith.constant 0 : i32
    %dma_wait3A_150 = tpu.memref_slice %arg8[%dma_wait3A_141, %dma_wait3A_148, %dma_wait3A_149] : memref<3x8x4096xf32, #tpu.memory_space<vmem>> -> memref<1x8x4096xf32, #tpu.memory_space<vmem>>
    %dma_wait3A_151 = tpu.memref_squeeze %dma_wait3A_150 : memref<1x8x4096xf32, #tpu.memory_space<vmem>> -> memref<8x4096xf32, #tpu.memory_space<vmem>>
    tpu.wait_dma2 semaphore(%arg12 : memref<!tpu.dma_semaphore, #tpu.memory_space<semaphore_mem>>) src(%dma_wait3A_151 : memref<8x4096xf32, #tpu.memory_space<vmem>>) dst(%dma_wait3A_147 : memref<8x4096xf32, #tpu.memory_space<hbm>>)
    %add3A_152 = arith.constant 12288 : i32
    %add3A_153 = arith.addi %mul3A_22, %add3A_152 : i32
    %dma_start3A_154 = arith.constant 0 : i32
    %dma_start3A_155 = arith.constant 0 : i32
    %dma_start3A_156 = arith.constant 0 : i32
    %dma_start3A_157 = tpu.memref_slice %arg8[%dma_start3A_154, %dma_start3A_155, %dma_start3A_156] : memref<3x8x4096xf32, #tpu.memory_space<vmem>> -> memref<1x8x4096xf32, #tpu.memory_space<vmem>>
    %dma_start3A_158 = tpu.memref_squeeze %dma_start3A_157 : memref<1x8x4096xf32, #tpu.memory_space<vmem>> -> memref<8x4096xf32, #tpu.memory_space<vmem>>
    %dma_start3A_159 = tpu.memref_slice %arg2[%multiple_of3A, %add3A_153] : memref<128x151296xf32, #tpu.memory_space<hbm>> -> memref<8x4096xf32, #tpu.memory_space<hbm>>
    %dma_start3A_160 = arith.constant 0 : i32
    %dma_start3A_161 = arith.constant 0 : i32
    %dma_start3A_162 = tpu.memref_slice %arg8[%dma_start3A_154, %dma_start3A_160, %dma_start3A_161] : memref<3x8x4096xf32, #tpu.memory_space<vmem>> -> memref<1x8x4096xf32, #tpu.memory_space<vmem>>
    %dma_start3A_163 = tpu.memref_squeeze %dma_start3A_162 : memref<1x8x4096xf32, #tpu.memory_space<vmem>> -> memref<8x4096xf32, #tpu.memory_space<vmem>>
    %dma_start3A_164 = tpu.memref_slice %arg2[%multiple_of3A, %add3A_153] : memref<128x151296xf32, #tpu.memory_space<hbm>> -> memref<8x4096xf32, #tpu.memory_space<hbm>>
    tpu.enqueue_dma source(%dma_start3A_164 : memref<8x4096xf32, #tpu.memory_space<hbm>>) target(%dma_start3A_163 : memref<8x4096xf32, #tpu.memory_space<vmem>>) target_semaphore(%arg9 : memref<!tpu.dma_semaphore, #tpu.memory_space<semaphore_mem>>)
    %dma_wait3A_165 = arith.constant 1 : i32
    %dma_wait3A_166 = arith.constant 0 : i32
    %dma_wait3A_167 = arith.constant 0 : i32
    %dma_wait3A_168 = tpu.memref_slice %arg8[%dma_wait3A_165, %dma_wait3A_166, %dma_wait3A_167] : memref<3x8x4096xf32, #tpu.memory_space<vmem>> -> memref<1x8x4096xf32, #tpu.memory_space<vmem>>
    %dma_wait3A_169 = tpu.memref_squeeze %dma_wait3A_168 : memref<1x8x4096xf32, #tpu.memory_space<vmem>> -> memref<8x4096xf32, #tpu.memory_space<vmem>>
    %dma_wait3A_170 = tpu.memref_slice %arg2[%multiple_of3A, %add3A_36] : memref<128x151296xf32, #tpu.memory_space<hbm>> -> memref<8x4096xf32, #tpu.memory_space<hbm>>
    %dma_wait3A_171 = arith.constant 0 : i32
    %dma_wait3A_172 = arith.constant 0 : i32
    %dma_wait3A_173 = tpu.memref_slice %arg8[%dma_wait3A_165, %dma_wait3A_171, %dma_wait3A_172] : memref<3x8x4096xf32, #tpu.memory_space<vmem>> -> memref<1x8x4096xf32, #tpu.memory_space<vmem>>
    %dma_wait3A_174 = tpu.memref_squeeze %dma_wait3A_173 : memref<1x8x4096xf32, #tpu.memory_space<vmem>> -> memref<8x4096xf32, #tpu.memory_space<vmem>>
    %dma_wait3A_175 = tpu.memref_slice %arg2[%multiple_of3A, %add3A_36] : memref<128x151296xf32, #tpu.memory_space<hbm>> -> memref<8x4096xf32, #tpu.memory_space<hbm>>
    tpu.wait_dma2 semaphore(%arg10 : memref<!tpu.dma_semaphore, #tpu.memory_space<semaphore_mem>>) src(%dma_wait3A_175 : memref<8x4096xf32, #tpu.memory_space<hbm>>) dst(%dma_wait3A_174 : memref<8x4096xf32, #tpu.memory_space<vmem>>)
    %add3A_176 = arith.constant 15360 : i32
    %add3A_177 = arith.addi %add3A_176, %mul3A_22 : i32
    %add3A_178 = arith.constant 4096 : i32
    %add3A_179 = arith.addi %add3A_177, %add3A_178 : i32
    %dma_start3A_180 = arith.constant 1 : i32
    %dma_start3A_181 = arith.constant 0 : i32
    %dma_start3A_182 = arith.constant 0 : i32
    %dma_start3A_183 = tpu.memref_slice %arg8[%dma_start3A_180, %dma_start3A_181, %dma_start3A_182] : memref<3x8x4096xf32, #tpu.memory_space<vmem>> -> memref<1x8x4096xf32, #tpu.memory_space<vmem>>
    %dma_start3A_184 = tpu.memref_squeeze %dma_start3A_183 : memref<1x8x4096xf32, #tpu.memory_space<vmem>> -> memref<8x4096xf32, #tpu.memory_space<vmem>>
    %dma_start3A_185 = tpu.memref_slice %arg5[%multiple_of3A, %add3A_179] : memref<128x166656xf32, #tpu.memory_space<hbm>> -> memref<8x4096xf32, #tpu.memory_space<hbm>>
    %dma_start3A_186 = tpu.memref_slice %arg5[%multiple_of3A, %add3A_179] : memref<128x166656xf32, #tpu.memory_space<hbm>> -> memref<8x4096xf32, #tpu.memory_space<hbm>>
    %dma_start3A_187 = arith.constant 0 : i32
    %dma_start3A_188 = arith.constant 0 : i32
    %dma_start3A_189 = tpu.memref_slice %arg8[%dma_start3A_180, %dma_start3A_187, %dma_start3A_188] : memref<3x8x4096xf32, #tpu.memory_space<vmem>> -> memref<1x8x4096xf32, #tpu.memory_space<vmem>>
    %dma_start3A_190 = tpu.memref_squeeze %dma_start3A_189 : memref<1x8x4096xf32, #tpu.memory_space<vmem>> -> memref<8x4096xf32, #tpu.memory_space<vmem>>
    tpu.enqueue_dma source(%dma_start3A_190 : memref<8x4096xf32, #tpu.memory_space<vmem>>) target(%dma_start3A_186 : memref<8x4096xf32, #tpu.memory_space<hbm>>) target_semaphore(%arg13 : memref<!tpu.dma_semaphore, #tpu.memory_space<semaphore_mem>>)
    %dma_wait3A_191 = arith.constant 1 : i32
    %dma_wait3A_192 = arith.constant 0 : i32
    %dma_wait3A_193 = arith.constant 0 : i32
    %dma_wait3A_194 = tpu.memref_slice %arg8[%dma_wait3A_191, %dma_wait3A_192, %dma_wait3A_193] : memref<3x8x4096xf32, #tpu.memory_space<vmem>> -> memref<1x8x4096xf32, #tpu.memory_space<vmem>>
    %dma_wait3A_195 = tpu.memref_squeeze %dma_wait3A_194 : memref<1x8x4096xf32, #tpu.memory_space<vmem>> -> memref<8x4096xf32, #tpu.memory_space<vmem>>
    %dma_wait3A_196 = tpu.memref_slice %arg5[%multiple_of3A, %add3A_179] : memref<128x166656xf32, #tpu.memory_space<hbm>> -> memref<8x4096xf32, #tpu.memory_space<hbm>>
    %dma_wait3A_197 = tpu.memref_slice %arg5[%multiple_of3A, %add3A_179] : memref<128x166656xf32, #tpu.memory_space<hbm>> -> memref<8x4096xf32, #tpu.memory_space<hbm>>
    %dma_wait3A_198 = arith.constant 0 : i32
    %dma_wait3A_199 = arith.constant 0 : i32
    %dma_wait3A_200 = tpu.memref_slice %arg8[%dma_wait3A_191, %dma_wait3A_198, %dma_wait3A_199] : memref<3x8x4096xf32, #tpu.memory_space<vmem>> -> memref<1x8x4096xf32, #tpu.memory_space<vmem>>
    %dma_wait3A_201 = tpu.memref_squeeze %dma_wait3A_200 : memref<1x8x4096xf32, #tpu.memory_space<vmem>> -> memref<8x4096xf32, #tpu.memory_space<vmem>>
    tpu.wait_dma2 semaphore(%arg13 : memref<!tpu.dma_semaphore, #tpu.memory_space<semaphore_mem>>) src(%dma_wait3A_201 : memref<8x4096xf32, #tpu.memory_space<vmem>>) dst(%dma_wait3A_197 : memref<8x4096xf32, #tpu.memory_space<hbm>>)
    %add3A_202 = arith.constant 16384 : i32
    %add3A_203 = arith.addi %mul3A_22, %add3A_202 : i32
    %dma_start3A_204 = arith.constant 1 : i32
    %dma_start3A_205 = arith.constant 0 : i32
    %dma_start3A_206 = arith.constant 0 : i32
    %dma_start3A_207 = tpu.memref_slice %arg8[%dma_start3A_204, %dma_start3A_205, %dma_start3A_206] : memref<3x8x4096xf32, #tpu.memory_space<vmem>> -> memref<1x8x4096xf32, #tpu.memory_space<vmem>>
    %dma_start3A_208 = tpu.memref_squeeze %dma_start3A_207 : memref<1x8x4096xf32, #tpu.memory_space<vmem>> -> memref<8x4096xf32, #tpu.memory_space<vmem>>
    %dma_start3A_209 = tpu.memref_slice %arg2[%multiple_of3A, %add3A_203] : memref<128x151296xf32, #tpu.memory_space<hbm>> -> memref<8x4096xf32, #tpu.memory_space<hbm>>
    %dma_start3A_210 = arith.constant 0 : i32
    %dma_start3A_211 = arith.constant 0 : i32
    %dma_start3A_212 = tpu.memref_slice %arg8[%dma_start3A_204, %dma_start3A_210, %dma_start3A_211] : memref<3x8x4096xf32, #tpu.memory_space<vmem>> -> memref<1x8x4096xf32, #tpu.memory_space<vmem>>
    %dma_start3A_213 = tpu.memref_squeeze %dma_start3A_212 : memref<1x8x4096xf32, #tpu.memory_space<vmem>> -> memref<8x4096xf32, #tpu.memory_space<vmem>>
    %dma_start3A_214 = tpu.memref_slice %arg2[%multiple_of3A, %add3A_203] : memref<128x151296xf32, #tpu.memory_space<hbm>> -> memref<8x4096xf32, #tpu.memory_space<hbm>>
    tpu.enqueue_dma source(%dma_start3A_214 : memref<8x4096xf32, #tpu.memory_space<hbm>>) target(%dma_start3A_213 : memref<8x4096xf32, #tpu.memory_space<vmem>>) target_semaphore(%arg10 : memref<!tpu.dma_semaphore, #tpu.memory_space<semaphore_mem>>)
    %dma_wait3A_215 = arith.constant 2 : i32
    %dma_wait3A_216 = arith.constant 0 : i32
    %dma_wait3A_217 = arith.constant 0 : i32
    %dma_wait3A_218 = tpu.memref_slice %arg8[%dma_wait3A_215, %dma_wait3A_216, %dma_wait3A_217] : memref<3x8x4096xf32, #tpu.memory_space<vmem>> -> memref<1x8x4096xf32, #tpu.memory_space<vmem>>
    %dma_wait3A_219 = tpu.memref_squeeze %dma_wait3A_218 : memref<1x8x4096xf32, #tpu.memory_space<vmem>> -> memref<8x4096xf32, #tpu.memory_space<vmem>>
    %dma_wait3A_220 = tpu.memref_slice %arg2[%multiple_of3A, %add3A_103] : memref<128x151296xf32, #tpu.memory_space<hbm>> -> memref<8x4096xf32, #tpu.memory_space<hbm>>
    %dma_wait3A_221 = arith.constant 0 : i32
    %dma_wait3A_222 = arith.constant 0 : i32
    %dma_wait3A_223 = tpu.memref_slice %arg8[%dma_wait3A_215, %dma_wait3A_221, %dma_wait3A_222] : memref<3x8x4096xf32, #tpu.memory_space<vmem>> -> memref<1x8x4096xf32, #tpu.memory_space<vmem>>
    %dma_wait3A_224 = tpu.memref_squeeze %dma_wait3A_223 : memref<1x8x4096xf32, #tpu.memory_space<vmem>> -> memref<8x4096xf32, #tpu.memory_space<vmem>>
    %dma_wait3A_225 = tpu.memref_slice %arg2[%multiple_of3A, %add3A_103] : memref<128x151296xf32, #tpu.memory_space<hbm>> -> memref<8x4096xf32, #tpu.memory_space<hbm>>
    tpu.wait_dma2 semaphore(%arg11 : memref<!tpu.dma_semaphore, #tpu.memory_space<semaphore_mem>>) src(%dma_wait3A_225 : memref<8x4096xf32, #tpu.memory_space<hbm>>) dst(%dma_wait3A_224 : memref<8x4096xf32, #tpu.memory_space<vmem>>)
    %add3A_226 = arith.constant 15360 : i32
    %add3A_227 = arith.addi %add3A_226, %mul3A_22 : i32
    %add3A_228 = arith.constant 8192 : i32
    %add3A_229 = arith.addi %add3A_227, %add3A_228 : i32
    %dma_start3A_230 = arith.constant 2 : i32
    %dma_start3A_231 = arith.constant 0 : i32
    %dma_start3A_232 = arith.constant 0 : i32
    %dma_start3A_233 = tpu.memref_slice %arg8[%dma_start3A_230, %dma_start3A_231, %dma_start3A_232] : memref<3x8x4096xf32, #tpu.memory_space<vmem>> -> memref<1x8x4096xf32, #tpu.memory_space<vmem>>
    %dma_start3A_234 = tpu.memref_squeeze %dma_start3A_233 : memref<1x8x4096xf32, #tpu.memory_space<vmem>> -> memref<8x4096xf32, #tpu.memory_space<vmem>>
    %dma_start3A_235 = tpu.memref_slice %arg5[%multiple_of3A, %add3A_229] : memref<128x166656xf32, #tpu.memory_space<hbm>> -> memref<8x4096xf32, #tpu.memory_space<hbm>>
    %dma_start3A_236 = tpu.memref_slice %arg5[%multiple_of3A, %add3A_229] : memref<128x166656xf32, #tpu.memory_space<hbm>> -> memref<8x4096xf32, #tpu.memory_space<hbm>>
    %dma_start3A_237 = arith.constant 0 : i32
    %dma_start3A_238 = arith.constant 0 : i32
    %dma_start3A_239 = tpu.memref_slice %arg8[%dma_start3A_230, %dma_start3A_237, %dma_start3A_238] : memref<3x8x4096xf32, #tpu.memory_space<vmem>> -> memref<1x8x4096xf32, #tpu.memory_space<vmem>>
    %dma_start3A_240 = tpu.memref_squeeze %dma_start3A_239 : memref<1x8x4096xf32, #tpu.memory_space<vmem>> -> memref<8x4096xf32, #tpu.memory_space<vmem>>
    tpu.enqueue_dma source(%dma_start3A_240 : memref<8x4096xf32, #tpu.memory_space<vmem>>) target(%dma_start3A_236 : memref<8x4096xf32, #tpu.memory_space<hbm>>) target_semaphore(%arg14 : memref<!tpu.dma_semaphore, #tpu.memory_space<semaphore_mem>>)
    %dma_wait3A_241 = arith.constant 2 : i32
    %dma_wait3A_242 = arith.constant 0 : i32
    %dma_wait3A_243 = arith.constant 0 : i32
    %dma_wait3A_244 = tpu.memref_slice %arg8[%dma_wait3A_241, %dma_wait3A_242, %dma_wait3A_243] : memref<3x8x4096xf32, #tpu.memory_space<vmem>> -> memref<1x8x4096xf32, #tpu.memory_space<vmem>>
    %dma_wait3A_245 = tpu.memref_squeeze %dma_wait3A_244 : memref<1x8x4096xf32, #tpu.memory_space<vmem>> -> memref<8x4096xf32, #tpu.memory_space<vmem>>
    %dma_wait3A_246 = tpu.memref_slice %arg5[%multiple_of3A, %add3A_229] : memref<128x166656xf32, #tpu.memory_space<hbm>> -> memref<8x4096xf32, #tpu.memory_space<hbm>>
    %dma_wait3A_247 = tpu.memref_slice %arg5[%multiple_of3A, %add3A_229] : memref<128x166656xf32, #tpu.memory_space<hbm>> -> memref<8x4096xf32, #tpu.memory_space<hbm>>
    %dma_wait3A_248 = arith.constant 0 : i32
    %dma_wait3A_249 = arith.constant 0 : i32
    %dma_wait3A_250 = tpu.memref_slice %arg8[%dma_wait3A_241, %dma_wait3A_248, %dma_wait3A_249] : memref<3x8x4096xf32, #tpu.memory_space<vmem>> -> memref<1x8x4096xf32, #tpu.memory_space<vmem>>
    %dma_wait3A_251 = tpu.memref_squeeze %dma_wait3A_250 : memref<1x8x4096xf32, #tpu.memory_space<vmem>> -> memref<8x4096xf32, #tpu.memory_space<vmem>>
    tpu.wait_dma2 semaphore(%arg14 : memref<!tpu.dma_semaphore, #tpu.memory_space<semaphore_mem>>) src(%dma_wait3A_251 : memref<8x4096xf32, #tpu.memory_space<vmem>>) dst(%dma_wait3A_247 : memref<8x4096xf32, #tpu.memory_space<hbm>>)
    %add3A_252 = arith.constant 20480 : i32
    %add3A_253 = arith.addi %mul3A_22, %add3A_252 : i32
    %dma_start3A_254 = arith.constant 2 : i32
    %dma_start3A_255 = arith.constant 0 : i32
    %dma_start3A_256 = arith.constant 0 : i32
    %dma_start3A_257 = tpu.memref_slice %arg8[%dma_start3A_254, %dma_start3A_255, %dma_start3A_256] : memref<3x8x4096xf32, #tpu.memory_space<vmem>> -> memref<1x8x4096xf32, #tpu.memory_space<vmem>>
    %dma_start3A_258 = tpu.memref_squeeze %dma_start3A_257 : memref<1x8x4096xf32, #tpu.memory_space<vmem>> -> memref<8x4096xf32, #tpu.memory_space<vmem>>
    %dma_start3A_259 = tpu.memref_slice %arg2[%multiple_of3A, %add3A_253] : memref<128x151296xf32, #tpu.memory_space<hbm>> -> memref<8x4096xf32, #tpu.memory_space<hbm>>
    %dma_start3A_260 = arith.constant 0 : i32
    %dma_start3A_261 = arith.constant 0 : i32
    %dma_start3A_262 = tpu.memref_slice %arg8[%dma_start3A_254, %dma_start3A_260, %dma_start3A_261] : memref<3x8x4096xf32, #tpu.memory_space<vmem>> -> memref<1x8x4096xf32, #tpu.memory_space<vmem>>
    %dma_start3A_263 = tpu.memref_squeeze %dma_start3A_262 : memref<1x8x4096xf32, #tpu.memory_space<vmem>> -> memref<8x4096xf32, #tpu.memory_space<vmem>>
    %dma_start3A_264 = tpu.memref_slice %arg2[%multiple_of3A, %add3A_253] : memref<128x151296xf32, #tpu.memory_space<hbm>> -> memref<8x4096xf32, #tpu.memory_space<hbm>>
    tpu.enqueue_dma source(%dma_start3A_264 : memref<8x4096xf32, #tpu.memory_space<hbm>>) target(%dma_start3A_263 : memref<8x4096xf32, #tpu.memory_space<vmem>>) target_semaphore(%arg11 : memref<!tpu.dma_semaphore, #tpu.memory_space<semaphore_mem>>)
    %dma_wait3A_265 = arith.constant 0 : i32
    %dma_wait3A_266 = arith.constant 0 : i32
    %dma_wait3A_267 = arith.constant 0 : i32
    %dma_wait3A_268 = tpu.memref_slice %arg8[%dma_wait3A_265, %dma_wait3A_266, %dma_wait3A_267] : memref<3x8x4096xf32, #tpu.memory_space<vmem>> -> memref<1x8x4096xf32, #tpu.memory_space<vmem>>
    %dma_wait3A_269 = tpu.memref_squeeze %dma_wait3A_268 : memref<1x8x4096xf32, #tpu.memory_space<vmem>> -> memref<8x4096xf32, #tpu.memory_space<vmem>>
    %dma_wait3A_270 = tpu.memref_slice %arg2[%multiple_of3A, %add3A_153] : memref<128x151296xf32, #tpu.memory_space<hbm>> -> memref<8x4096xf32, #tpu.memory_space<hbm>>
    %dma_wait3A_271 = arith.constant 0 : i32
    %dma_wait3A_272 = arith.constant 0 : i32
    %dma_wait3A_273 = tpu.memref_slice %arg8[%dma_wait3A_265, %dma_wait3A_271, %dma_wait3A_272] : memref<3x8x4096xf32, #tpu.memory_space<vmem>> -> memref<1x8x4096xf32, #tpu.memory_space<vmem>>
    %dma_wait3A_274 = tpu.memref_squeeze %dma_wait3A_273 : memref<1x8x4096xf32, #tpu.memory_space<vmem>> -> memref<8x4096xf32, #tpu.memory_space<vmem>>
    %dma_wait3A_275 = tpu.memref_slice %arg2[%multiple_of3A, %add3A_153] : memref<128x151296xf32, #tpu.memory_space<hbm>> -> memref<8x4096xf32, #tpu.memory_space<hbm>>
    tpu.wait_dma2 semaphore(%arg9 : memref<!tpu.dma_semaphore, #tpu.memory_space<semaphore_mem>>) src(%dma_wait3A_275 : memref<8x4096xf32, #tpu.memory_space<hbm>>) dst(%dma_wait3A_274 : memref<8x4096xf32, #tpu.memory_space<vmem>>)
    %add3A_276 = arith.constant 15360 : i32
    %add3A_277 = arith.addi %add3A_276, %mul3A_22 : i32
    %add3A_278 = arith.constant 12288 : i32
    %add3A_279 = arith.addi %add3A_277, %add3A_278 : i32
    %dma_start3A_280 = arith.constant 0 : i32
    %dma_start3A_281 = arith.constant 0 : i32
    %dma_start3A_282 = arith.constant 0 : i32
    %dma_start3A_283 = tpu.memref_slice %arg8[%dma_start3A_280, %dma_start3A_281, %dma_start3A_282] : memref<3x8x4096xf32, #tpu.memory_space<vmem>> -> memref<1x8x4096xf32, #tpu.memory_space<vmem>>
    %dma_start3A_284 = tpu.memref_squeeze %dma_start3A_283 : memref<1x8x4096xf32, #tpu.memory_space<vmem>> -> memref<8x4096xf32, #tpu.memory_space<vmem>>
    %dma_start3A_285 = tpu.memref_slice %arg5[%multiple_of3A, %add3A_279] : memref<128x166656xf32, #tpu.memory_space<hbm>> -> memref<8x4096xf32, #tpu.memory_space<hbm>>
    %dma_start3A_286 = tpu.memref_slice %arg5[%multiple_of3A, %add3A_279] : memref<128x166656xf32, #tpu.memory_space<hbm>> -> memref<8x4096xf32, #tpu.memory_space<hbm>>
    %dma_start3A_287 = arith.constant 0 : i32
    %dma_start3A_288 = arith.constant 0 : i32
    %dma_start3A_289 = tpu.memref_slice %arg8[%dma_start3A_280, %dma_start3A_287, %dma_start3A_288] : memref<3x8x4096xf32, #tpu.memory_space<vmem>> -> memref<1x8x4096xf32, #tpu.memory_space<vmem>>
    %dma_start3A_290 = tpu.memref_squeeze %dma_start3A_289 : memref<1x8x4096xf32, #tpu.memory_space<vmem>> -> memref<8x4096xf32, #tpu.memory_space<vmem>>
    tpu.enqueue_dma source(%dma_start3A_290 : memref<8x4096xf32, #tpu.memory_space<vmem>>) target(%dma_start3A_286 : memref<8x4096xf32, #tpu.memory_space<hbm>>) target_semaphore(%arg12 : memref<!tpu.dma_semaphore, #tpu.memory_space<semaphore_mem>>)
    %dma_wait3A_291 = arith.constant 0 : i32
    %dma_wait3A_292 = arith.constant 0 : i32
    %dma_wait3A_293 = arith.constant 0 : i32
    %dma_wait3A_294 = tpu.memref_slice %arg8[%dma_wait3A_291, %dma_wait3A_292, %dma_wait3A_293] : memref<3x8x4096xf32, #tpu.memory_space<vmem>> -> memref<1x8x4096xf32, #tpu.memory_space<vmem>>
    %dma_wait3A_295 = tpu.memref_squeeze %dma_wait3A_294 : memref<1x8x4096xf32, #tpu.memory_space<vmem>> -> memref<8x4096xf32, #tpu.memory_space<vmem>>
    %dma_wait3A_296 = tpu.memref_slice %arg5[%multiple_of3A, %add3A_279] : memref<128x166656xf32, #tpu.memory_space<hbm>> -> memref<8x4096xf32, #tpu.memory_space<hbm>>
    %dma_wait3A_297 = tpu.memref_slice %arg5[%multiple_of3A, %add3A_279] : memref<128x166656xf32, #tpu.memory_space<hbm>> -> memref<8x4096xf32, #tpu.memory_space<hbm>>
    %dma_wait3A_298 = arith.constant 0 : i32
    %dma_wait3A_299 = arith.constant 0 : i32
    %dma_wait3A_300 = tpu.memref_slice %arg8[%dma_wait3A_291, %dma_wait3A_298, %dma_wait3A_299] : memref<3x8x4096xf32, #tpu.memory_space<vmem>> -> memref<1x8x4096xf32, #tpu.memory_space<vmem>>
    %dma_wait3A_301 = tpu.memref_squeeze %dma_wait3A_300 : memref<1x8x4096xf32, #tpu.memory_space<vmem>> -> memref<8x4096xf32, #tpu.memory_space<vmem>>
    tpu.wait_dma2 semaphore(%arg12 : memref<!tpu.dma_semaphore, #tpu.memory_space<semaphore_mem>>) src(%dma_wait3A_301 : memref<8x4096xf32, #tpu.memory_space<vmem>>) dst(%dma_wait3A_297 : memref<8x4096xf32, #tpu.memory_space<hbm>>)
    %add3A_302 = arith.constant 24576 : i32
    %add3A_303 = arith.addi %mul3A_22, %add3A_302 : i32
    %dma_start3A_304 = arith.constant 0 : i32
    %dma_start3A_305 = arith.constant 0 : i32
    %dma_start3A_306 = arith.constant 0 : i32
    %dma_start3A_307 = tpu.memref_slice %arg8[%dma_start3A_304, %dma_start3A_305, %dma_start3A_306] : memref<3x8x4096xf32, #tpu.memory_space<vmem>> -> memref<1x8x4096xf32, #tpu.memory_space<vmem>>
    %dma_start3A_308 = tpu.memref_squeeze %dma_start3A_307 : memref<1x8x4096xf32, #tpu.memory_space<vmem>> -> memref<8x4096xf32, #tpu.memory_space<vmem>>
    %dma_start3A_309 = tpu.memref_slice %arg2[%multiple_of3A, %add3A_303] : memref<128x151296xf32, #tpu.memory_space<hbm>> -> memref<8x4096xf32, #tpu.memory_space<hbm>>
    %dma_start3A_310 = arith.constant 0 : i32
    %dma_start3A_311 = arith.constant 0 : i32
    %dma_start3A_312 = tpu.memref_slice %arg8[%dma_start3A_304, %dma_start3A_310, %dma_start3A_311] : memref<3x8x4096xf32, #tpu.memory_space<vmem>> -> memref<1x8x4096xf32, #tpu.memory_space<vmem>>
    %dma_start3A_313 = tpu.memref_squeeze %dma_start3A_312 : memref<1x8x4096xf32, #tpu.memory_space<vmem>> -> memref<8x4096xf32, #tpu.memory_space<vmem>>
    %dma_start3A_314 = tpu.memref_slice %arg2[%multiple_of3A, %add3A_303] : memref<128x151296xf32, #tpu.memory_space<hbm>> -> memref<8x4096xf32, #tpu.memory_space<hbm>>
    tpu.enqueue_dma source(%dma_start3A_314 : memref<8x4096xf32, #tpu.memory_space<hbm>>) target(%dma_start3A_313 : memref<8x4096xf32, #tpu.memory_space<vmem>>) target_semaphore(%arg9 : memref<!tpu.dma_semaphore, #tpu.memory_space<semaphore_mem>>)
    %dma_wait3A_315 = arith.constant 1 : i32
    %dma_wait3A_316 = arith.constant 0 : i32
    %dma_wait3A_317 = arith.constant 0 : i32
    %dma_wait3A_318 = tpu.memref_slice %arg8[%dma_wait3A_315, %dma_wait3A_316, %dma_wait3A_317] : memref<3x8x4096xf32, #tpu.memory_space<vmem>> -> memref<1x8x4096xf32, #tpu.memory_space<vmem>>
    %dma_wait3A_319 = tpu.memref_squeeze %dma_wait3A_318 : memref<1x8x4096xf32, #tpu.memory_space<vmem>> -> memref<8x4096xf32, #tpu.memory_space<vmem>>
    %dma_wait3A_320 = tpu.memref_slice %arg2[%multiple_of3A, %add3A_203] : memref<128x151296xf32, #tpu.memory_space<hbm>> -> memref<8x4096xf32, #tpu.memory_space<hbm>>
    %dma_wait3A_321 = arith.constant 0 : i32
    %dma_wait3A_322 = arith.constant 0 : i32
    %dma_wait3A_323 = tpu.memref_slice %arg8[%dma_wait3A_315, %dma_wait3A_321, %dma_wait3A_322] : memref<3x8x4096xf32, #tpu.memory_space<vmem>> -> memref<1x8x4096xf32, #tpu.memory_space<vmem>>
    %dma_wait3A_324 = tpu.memref_squeeze %dma_wait3A_323 : memref<1x8x4096xf32, #tpu.memory_space<vmem>> -> memref<8x4096xf32, #tpu.memory_space<vmem>>
    %dma_wait3A_325 = tpu.memref_slice %arg2[%multiple_of3A, %add3A_203] : memref<128x151296xf32, #tpu.memory_space<hbm>> -> memref<8x4096xf32, #tpu.memory_space<hbm>>
    tpu.wait_dma2 semaphore(%arg10 : memref<!tpu.dma_semaphore, #tpu.memory_space<semaphore_mem>>) src(%dma_wait3A_325 : memref<8x4096xf32, #tpu.memory_space<hbm>>) dst(%dma_wait3A_324 : memref<8x4096xf32, #tpu.memory_space<vmem>>)
    %add3A_326 = arith.constant 15360 : i32
    %add3A_327 = arith.addi %add3A_326, %mul3A_22 : i32
    %add3A_328 = arith.constant 16384 : i32
    %add3A_329 = arith.addi %add3A_327, %add3A_328 : i32
    %dma_start3A_330 = arith.constant 1 : i32
    %dma_start3A_331 = arith.constant 0 : i32
    %dma_start3A_332 = arith.constant 0 : i32
    %dma_start3A_333 = tpu.memref_slice %arg8[%dma_start3A_330, %dma_start3A_331, %dma_start3A_332] : memref<3x8x4096xf32, #tpu.memory_space<vmem>> -> memref<1x8x4096xf32, #tpu.memory_space<vmem>>
    %dma_start3A_334 = tpu.memref_squeeze %dma_start3A_333 : memref<1x8x4096xf32, #tpu.memory_space<vmem>> -> memref<8x4096xf32, #tpu.memory_space<vmem>>
    %dma_start3A_335 = tpu.memref_slice %arg5[%multiple_of3A, %add3A_329] : memref<128x166656xf32, #tpu.memory_space<hbm>> -> memref<8x4096xf32, #tpu.memory_space<hbm>>
    %dma_start3A_336 = tpu.memref_slice %arg5[%multiple_of3A, %add3A_329] : memref<128x166656xf32, #tpu.memory_space<hbm>> -> memref<8x4096xf32, #tpu.memory_space<hbm>>
    %dma_start3A_337 = arith.constant 0 : i32
    %dma_start3A_338 = arith.constant 0 : i32
    %dma_start3A_339 = tpu.memref_slice %arg8[%dma_start3A_330, %dma_start3A_337, %dma_start3A_338] : memref<3x8x4096xf32, #tpu.memory_space<vmem>> -> memref<1x8x4096xf32, #tpu.memory_space<vmem>>
    %dma_start3A_340 = tpu.memref_squeeze %dma_start3A_339 : memref<1x8x4096xf32, #tpu.memory_space<vmem>> -> memref<8x4096xf32, #tpu.memory_space<vmem>>
    tpu.enqueue_dma source(%dma_start3A_340 : memref<8x4096xf32, #tpu.memory_space<vmem>>) target(%dma_start3A_336 : memref<8x4096xf32, #tpu.memory_space<hbm>>) target_semaphore(%arg13 : memref<!tpu.dma_semaphore, #tpu.memory_space<semaphore_mem>>)
    %dma_wait3A_341 = arith.constant 1 : i32
    %dma_wait3A_342 = arith.constant 0 : i32
    %dma_wait3A_343 = arith.constant 0 : i32
    %dma_wait3A_344 = tpu.memref_slice %arg8[%dma_wait3A_341, %dma_wait3A_342, %dma_wait3A_343] : memref<3x8x4096xf32, #tpu.memory_space<vmem>> -> memref<1x8x4096xf32, #tpu.memory_space<vmem>>
    %dma_wait3A_345 = tpu.memref_squeeze %dma_wait3A_344 : memref<1x8x4096xf32, #tpu.memory_space<vmem>> -> memref<8x4096xf32, #tpu.memory_space<vmem>>
    %dma_wait3A_346 = tpu.memref_slice %arg5[%multiple_of3A, %add3A_329] : memref<128x166656xf32, #tpu.memory_space<hbm>> -> memref<8x4096xf32, #tpu.memory_space<hbm>>
    %dma_wait3A_347 = tpu.memref_slice %arg5[%multiple_of3A, %add3A_329] : memref<128x166656xf32, #tpu.memory_space<hbm>> -> memref<8x4096xf32, #tpu.memory_space<hbm>>
    %dma_wait3A_348 = arith.constant 0 : i32
    %dma_wait3A_349 = arith.constant 0 : i32
    %dma_wait3A_350 = tpu.memref_slice %arg8[%dma_wait3A_341, %dma_wait3A_348, %dma_wait3A_349] : memref<3x8x4096xf32, #tpu.memory_space<vmem>> -> memref<1x8x4096xf32, #tpu.memory_space<vmem>>
    %dma_wait3A_351 = tpu.memref_squeeze %dma_wait3A_350 : memref<1x8x4096xf32, #tpu.memory_space<vmem>> -> memref<8x4096xf32, #tpu.memory_space<vmem>>
    tpu.wait_dma2 semaphore(%arg13 : memref<!tpu.dma_semaphore, #tpu.memory_space<semaphore_mem>>) src(%dma_wait3A_351 : memref<8x4096xf32, #tpu.memory_space<vmem>>) dst(%dma_wait3A_347 : memref<8x4096xf32, #tpu.memory_space<hbm>>)
    %add3A_352 = arith.constant 28672 : i32
    %add3A_353 = arith.addi %mul3A_22, %add3A_352 : i32
    %dma_start3A_354 = arith.constant 1 : i32
    %dma_start3A_355 = arith.constant 0 : i32
    %dma_start3A_356 = arith.constant 0 : i32
    %dma_start3A_357 = tpu.memref_slice %arg8[%dma_start3A_354, %dma_start3A_355, %dma_start3A_356] : memref<3x8x4096xf32, #tpu.memory_space<vmem>> -> memref<1x8x4096xf32, #tpu.memory_space<vmem>>
    %dma_start3A_358 = tpu.memref_squeeze %dma_start3A_357 : memref<1x8x4096xf32, #tpu.memory_space<vmem>> -> memref<8x4096xf32, #tpu.memory_space<vmem>>
    %dma_start3A_359 = tpu.memref_slice %arg2[%multiple_of3A, %add3A_353] : memref<128x151296xf32, #tpu.memory_space<hbm>> -> memref<8x4096xf32, #tpu.memory_space<hbm>>
    %dma_start3A_360 = arith.constant 0 : i32
    %dma_start3A_361 = arith.constant 0 : i32
    %dma_start3A_362 = tpu.memref_slice %arg8[%dma_start3A_354, %dma_start3A_360, %dma_start3A_361] : memref<3x8x4096xf32, #tpu.memory_space<vmem>> -> memref<1x8x4096xf32, #tpu.memory_space<vmem>>
    %dma_start3A_363 = tpu.memref_squeeze %dma_start3A_362 : memref<1x8x4096xf32, #tpu.memory_space<vmem>> -> memref<8x4096xf32, #tpu.memory_space<vmem>>
    %dma_start3A_364 = tpu.memref_slice %arg2[%multiple_of3A, %add3A_353] : memref<128x151296xf32, #tpu.memory_space<hbm>> -> memref<8x4096xf32, #tpu.memory_space<hbm>>
    tpu.enqueue_dma source(%dma_start3A_364 : memref<8x4096xf32, #tpu.memory_space<hbm>>) target(%dma_start3A_363 : memref<8x4096xf32, #tpu.memory_space<vmem>>) target_semaphore(%arg10 : memref<!tpu.dma_semaphore, #tpu.memory_space<semaphore_mem>>)
    %dma_wait3A_365 = arith.constant 2 : i32
    %dma_wait3A_366 = arith.constant 0 : i32
    %dma_wait3A_367 = arith.constant 0 : i32
    %dma_wait3A_368 = tpu.memref_slice %arg8[%dma_wait3A_365, %dma_wait3A_366, %dma_wait3A_367] : memref<3x8x4096xf32, #tpu.memory_space<vmem>> -> memref<1x8x4096xf32, #tpu.memory_space<vmem>>
    %dma_wait3A_369 = tpu.memref_squeeze %dma_wait3A_368 : memref<1x8x4096xf32, #tpu.memory_space<vmem>> -> memref<8x4096xf32, #tpu.memory_space<vmem>>
    %dma_wait3A_370 = tpu.memref_slice %arg2[%multiple_of3A, %add3A_253] : memref<128x151296xf32, #tpu.memory_space<hbm>> -> memref<8x4096xf32, #tpu.memory_space<hbm>>
    %dma_wait3A_371 = arith.constant 0 : i32
    %dma_wait3A_372 = arith.constant 0 : i32
    %dma_wait3A_373 = tpu.memref_slice %arg8[%dma_wait3A_365, %dma_wait3A_371, %dma_wait3A_372] : memref<3x8x4096xf32, #tpu.memory_space<vmem>> -> memref<1x8x4096xf32, #tpu.memory_space<vmem>>
    %dma_wait3A_374 = tpu.memref_squeeze %dma_wait3A_373 : memref<1x8x4096xf32, #tpu.memory_space<vmem>> -> memref<8x4096xf32, #tpu.memory_space<vmem>>
    %dma_wait3A_375 = tpu.memref_slice %arg2[%multiple_of3A, %add3A_253] : memref<128x151296xf32, #tpu.memory_space<hbm>> -> memref<8x4096xf32, #tpu.memory_space<hbm>>
    tpu.wait_dma2 semaphore(%arg11 : memref<!tpu.dma_semaphore, #tpu.memory_space<semaphore_mem>>) src(%dma_wait3A_375 : memref<8x4096xf32, #tpu.memory_space<hbm>>) dst(%dma_wait3A_374 : memref<8x4096xf32, #tpu.memory_space<vmem>>)
    %add3A_376 = arith.constant 15360 : i32
    %add3A_377 = arith.addi %add3A_376, %mul3A_22 : i32
    %add3A_378 = arith.constant 20480 : i32
    %add3A_379 = arith.addi %add3A_377, %add3A_378 : i32
    %dma_start3A_380 = arith.constant 2 : i32
    %dma_start3A_381 = arith.constant 0 : i32
    %dma_start3A_382 = arith.constant 0 : i32
    %dma_start3A_383 = tpu.memref_slice %arg8[%dma_start3A_380, %dma_start3A_381, %dma_start3A_382] : memref<3x8x4096xf32, #tpu.memory_space<vmem>> -> memref<1x8x4096xf32, #tpu.memory_space<vmem>>
    %dma_start3A_384 = tpu.memref_squeeze %dma_start3A_383 : memref<1x8x4096xf32, #tpu.memory_space<vmem>> -> memref<8x4096xf32, #tpu.memory_space<vmem>>
    %dma_start3A_385 = tpu.memref_slice %arg5[%multiple_of3A, %add3A_379] : memref<128x166656xf32, #tpu.memory_space<hbm>> -> memref<8x4096xf32, #tpu.memory_space<hbm>>
    %dma_start3A_386 = tpu.memref_slice %arg5[%multiple_of3A, %add3A_379] : memref<128x166656xf32, #tpu.memory_space<hbm>> -> memref<8x4096xf32, #tpu.memory_space<hbm>>
    %dma_start3A_387 = arith.constant 0 : i32
    %dma_start3A_388 = arith.constant 0 : i32
    %dma_start3A_389 = tpu.memref_slice %arg8[%dma_start3A_380, %dma_start3A_387, %dma_start3A_388] : memref<3x8x4096xf32, #tpu.memory_space<vmem>> -> memref<1x8x4096xf32, #tpu.memory_space<vmem>>
    %dma_start3A_390 = tpu.memref_squeeze %dma_start3A_389 : memref<1x8x4096xf32, #tpu.memory_space<vmem>> -> memref<8x4096xf32, #tpu.memory_space<vmem>>
    tpu.enqueue_dma source(%dma_start3A_390 : memref<8x4096xf32, #tpu.memory_space<vmem>>) target(%dma_start3A_386 : memref<8x4096xf32, #tpu.memory_space<hbm>>) target_semaphore(%arg14 : memref<!tpu.dma_semaphore, #tpu.memory_space<semaphore_mem>>)
    %dma_wait3A_391 = arith.constant 2 : i32
    %dma_wait3A_392 = arith.constant 0 : i32
    %dma_wait3A_393 = arith.constant 0 : i32
    %dma_wait3A_394 = tpu.memref_slice %arg8[%dma_wait3A_391, %dma_wait3A_392, %dma_wait3A_393] : memref<3x8x4096xf32, #tpu.memory_space<vmem>> -> memref<1x8x4096xf32, #tpu.memory_space<vmem>>
    %dma_wait3A_395 = tpu.memref_squeeze %dma_wait3A_394 : memref<1x8x4096xf32, #tpu.memory_space<vmem>> -> memref<8x4096xf32, #tpu.memory_space<vmem>>
    %dma_wait3A_396 = tpu.memref_slice %arg5[%multiple_of3A, %add3A_379] : memref<128x166656xf32, #tpu.memory_space<hbm>> -> memref<8x4096xf32, #tpu.memory_space<hbm>>
    %dma_wait3A_397 = tpu.memref_slice %arg5[%multiple_of3A, %add3A_379] : memref<128x166656xf32, #tpu.memory_space<hbm>> -> memref<8x4096xf32, #tpu.memory_space<hbm>>
    %dma_wait3A_398 = arith.constant 0 : i32
    %dma_wait3A_399 = arith.constant 0 : i32
    %dma_wait3A_400 = tpu.memref_slice %arg8[%dma_wait3A_391, %dma_wait3A_398, %dma_wait3A_399] : memref<3x8x4096xf32, #tpu.memory_space<vmem>> -> memref<1x8x4096xf32, #tpu.memory_space<vmem>>
    %dma_wait3A_401 = tpu.memref_squeeze %dma_wait3A_400 : memref<1x8x4096xf32, #tpu.memory_space<vmem>> -> memref<8x4096xf32, #tpu.memory_space<vmem>>
    tpu.wait_dma2 semaphore(%arg14 : memref<!tpu.dma_semaphore, #tpu.memory_space<semaphore_mem>>) src(%dma_wait3A_401 : memref<8x4096xf32, #tpu.memory_space<vmem>>) dst(%dma_wait3A_397 : memref<8x4096xf32, #tpu.memory_space<hbm>>)
    %add3A_402 = arith.constant 32768 : i32
    %add3A_403 = arith.addi %mul3A_22, %add3A_402 : i32
    %dma_start3A_404 = arith.constant 2 : i32
    %dma_start3A_405 = arith.constant 0 : i32
    %dma_start3A_406 = arith.constant 0 : i32
    %dma_start3A_407 = tpu.memref_slice %arg8[%dma_start3A_404, %dma_start3A_405, %dma_start3A_406] : memref<3x8x4096xf32, #tpu.memory_space<vmem>> -> memref<1x8x4096xf32, #tpu.memory_space<vmem>>
    %dma_start3A_408 = tpu.memref_squeeze %dma_start3A_407 : memref<1x8x4096xf32, #tpu.memory_space<vmem>> -> memref<8x4096xf32, #tpu.memory_space<vmem>>
    %dma_start3A_409 = tpu.memref_slice %arg2[%multiple_of3A, %add3A_403] : memref<128x151296xf32, #tpu.memory_space<hbm>> -> memref<8x4096xf32, #tpu.memory_space<hbm>>
    %dma_start3A_410 = arith.constant 0 : i32
    %dma_start3A_411 = arith.constant 0 : i32
    %dma_start3A_412 = tpu.memref_slice %arg8[%dma_start3A_404, %dma_start3A_410, %dma_start3A_411] : memref<3x8x4096xf32, #tpu.memory_space<vmem>> -> memref<1x8x4096xf32, #tpu.memory_space<vmem>>
    %dma_start3A_413 = tpu.memref_squeeze %dma_start3A_412 : memref<1x8x4096xf32, #tpu.memory_space<vmem>> -> memref<8x4096xf32, #tpu.memory_space<vmem>>
    %dma_start3A_414 = tpu.memref_slice %arg2[%multiple_of3A, %add3A_403] : memref<128x151296xf32, #tpu.memory_space<hbm>> -> memref<8x4096xf32, #tpu.memory_space<hbm>>
    tpu.enqueue_dma source(%dma_start3A_414 : memref<8x4096xf32, #tpu.memory_space<hbm>>) target(%dma_start3A_413 : memref<8x4096xf32, #tpu.memory_space<vmem>>) target_semaphore(%arg11 : memref<!tpu.dma_semaphore, #tpu.memory_space<semaphore_mem>>)
    %dma_wait3A_415 = arith.constant 0 : i32
    %dma_wait3A_416 = arith.constant 0 : i32
    %dma_wait3A_417 = arith.constant 0 : i32
    %dma_wait3A_418 = tpu.memref_slice %arg8[%dma_wait3A_415, %dma_wait3A_416, %dma_wait3A_417] : memref<3x8x4096xf32, #tpu.memory_space<vmem>> -> memref<1x8x4096xf32, #tpu.memory_space<vmem>>
    %dma_wait3A_419 = tpu.memref_squeeze %dma_wait3A_418 : memref<1x8x4096xf32, #tpu.memory_space<vmem>> -> memref<8x4096xf32, #tpu.memory_space<vmem>>
    %dma_wait3A_420 = tpu.memref_slice %arg2[%multiple_of3A, %add3A_303] : memref<128x151296xf32, #tpu.memory_space<hbm>> -> memref<8x4096xf32, #tpu.memory_space<hbm>>
    %dma_wait3A_421 = arith.constant 0 : i32
    %dma_wait3A_422 = arith.constant 0 : i32
    %dma_wait3A_423 = tpu.memref_slice %arg8[%dma_wait3A_415, %dma_wait3A_421, %dma_wait3A_422] : memref<3x8x4096xf32, #tpu.memory_space<vmem>> -> memref<1x8x4096xf32, #tpu.memory_space<vmem>>
    %dma_wait3A_424 = tpu.memref_squeeze %dma_wait3A_423 : memref<1x8x4096xf32, #tpu.memory_space<vmem>> -> memref<8x4096xf32, #tpu.memory_space<vmem>>
    %dma_wait3A_425 = tpu.memref_slice %arg2[%multiple_of3A, %add3A_303] : memref<128x151296xf32, #tpu.memory_space<hbm>> -> memref<8x4096xf32, #tpu.memory_space<hbm>>
    tpu.wait_dma2 semaphore(%arg9 : memref<!tpu.dma_semaphore, #tpu.memory_space<semaphore_mem>>) src(%dma_wait3A_425 : memref<8x4096xf32, #tpu.memory_space<hbm>>) dst(%dma_wait3A_424 : memref<8x4096xf32, #tpu.memory_space<vmem>>)
    %add3A_426 = arith.constant 15360 : i32
    %add3A_427 = arith.addi %add3A_426, %mul3A_22 : i32
    %add3A_428 = arith.constant 24576 : i32
    %add3A_429 = arith.addi %add3A_427, %add3A_428 : i32
    %dma_start3A_430 = arith.constant 0 : i32
    %dma_start3A_431 = arith.constant 0 : i32
    %dma_start3A_432 = arith.constant 0 : i32
    %dma_start3A_433 = tpu.memref_slice %arg8[%dma_start3A_430, %dma_start3A_431, %dma_start3A_432] : memref<3x8x4096xf32, #tpu.memory_space<vmem>> -> memref<1x8x4096xf32, #tpu.memory_space<vmem>>
    %dma_start3A_434 = tpu.memref_squeeze %dma_start3A_433 : memref<1x8x4096xf32, #tpu.memory_space<vmem>> -> memref<8x4096xf32, #tpu.memory_space<vmem>>
    %dma_start3A_435 = tpu.memref_slice %arg5[%multiple_of3A, %add3A_429] : memref<128x166656xf32, #tpu.memory_space<hbm>> -> memref<8x4096xf32, #tpu.memory_space<hbm>>
    %dma_start3A_436 = tpu.memref_slice %arg5[%multiple_of3A, %add3A_429] : memref<128x166656xf32, #tpu.memory_space<hbm>> -> memref<8x4096xf32, #tpu.memory_space<hbm>>
    %dma_start3A_437 = arith.constant 0 : i32
    %dma_start3A_438 = arith.constant 0 : i32
    %dma_start3A_439 = tpu.memref_slice %arg8[%dma_start3A_430, %dma_start3A_437, %dma_start3A_438] : memref<3x8x4096xf32, #tpu.memory_space<vmem>> -> memref<1x8x4096xf32, #tpu.memory_space<vmem>>
    %dma_start3A_440 = tpu.memref_squeeze %dma_start3A_439 : memref<1x8x4096xf32, #tpu.memory_space<vmem>> -> memref<8x4096xf32, #tpu.memory_space<vmem>>
    tpu.enqueue_dma source(%dma_start3A_440 : memref<8x4096xf32, #tpu.memory_space<vmem>>) target(%dma_start3A_436 : memref<8x4096xf32, #tpu.memory_space<hbm>>) target_semaphore(%arg12 : memref<!tpu.dma_semaphore, #tpu.memory_space<semaphore_mem>>)
    %dma_wait3A_441 = arith.constant 0 : i32
    %dma_wait3A_442 = arith.constant 0 : i32
    %dma_wait3A_443 = arith.constant 0 : i32
    %dma_wait3A_444 = tpu.memref_slice %arg8[%dma_wait3A_441, %dma_wait3A_442, %dma_wait3A_443] : memref<3x8x4096xf32, #tpu.memory_space<vmem>> -> memref<1x8x4096xf32, #tpu.memory_space<vmem>>
    %dma_wait3A_445 = tpu.memref_squeeze %dma_wait3A_444 : memref<1x8x4096xf32, #tpu.memory_space<vmem>> -> memref<8x4096xf32, #tpu.memory_space<vmem>>
    %dma_wait3A_446 = tpu.memref_slice %arg5[%multiple_of3A, %add3A_429] : memref<128x166656xf32, #tpu.memory_space<hbm>> -> memref<8x4096xf32, #tpu.memory_space<hbm>>
    %dma_wait3A_447 = tpu.memref_slice %arg5[%multiple_of3A, %add3A_429] : memref<128x166656xf32, #tpu.memory_space<hbm>> -> memref<8x4096xf32, #tpu.memory_space<hbm>>
    %dma_wait3A_448 = arith.constant 0 : i32
    %dma_wait3A_449 = arith.constant 0 : i32
    %dma_wait3A_450 = tpu.memref_slice %arg8[%dma_wait3A_441, %dma_wait3A_448, %dma_wait3A_449] : memref<3x8x4096xf32, #tpu.memory_space<vmem>> -> memref<1x8x4096xf32, #tpu.memory_space<vmem>>
    %dma_wait3A_451 = tpu.memref_squeeze %dma_wait3A_450 : memref<1x8x4096xf32, #tpu.memory_space<vmem>> -> memref<8x4096xf32, #tpu.memory_space<vmem>>
    tpu.wait_dma2 semaphore(%arg12 : memref<!tpu.dma_semaphore, #tpu.memory_space<semaphore_mem>>) src(%dma_wait3A_451 : memref<8x4096xf32, #tpu.memory_space<vmem>>) dst(%dma_wait3A_447 : memref<8x4096xf32, #tpu.memory_space<hbm>>)
    %add3A_452 = arith.constant 36864 : i32
    %add3A_453 = arith.addi %mul3A_22, %add3A_452 : i32
    %dma_start3A_454 = arith.constant 0 : i32
    %dma_start3A_455 = arith.constant 0 : i32
    %dma_start3A_456 = arith.constant 0 : i32
    %dma_start3A_457 = tpu.memref_slice %arg8[%dma_start3A_454, %dma_start3A_455, %dma_start3A_456] : memref<3x8x4096xf32, #tpu.memory_space<vmem>> -> memref<1x8x4096xf32, #tpu.memory_space<vmem>>
    %dma_start3A_458 = tpu.memref_squeeze %dma_start3A_457 : memref<1x8x4096xf32, #tpu.memory_space<vmem>> -> memref<8x4096xf32, #tpu.memory_space<vmem>>
    %dma_start3A_459 = tpu.memref_slice %arg2[%multiple_of3A, %add3A_453] : memref<128x151296xf32, #tpu.memory_space<hbm>> -> memref<8x4096xf32, #tpu.memory_space<hbm>>
    %dma_start3A_460 = arith.constant 0 : i32
    %dma_start3A_461 = arith.constant 0 : i32
    %dma_start3A_462 = tpu.memref_slice %arg8[%dma_start3A_454, %dma_start3A_460, %dma_start3A_461] : memref<3x8x4096xf32, #tpu.memory_space<vmem>> -> memref<1x8x4096xf32, #tpu.memory_space<vmem>>
    %dma_start3A_463 = tpu.memref_squeeze %dma_start3A_462 : memref<1x8x4096xf32, #tpu.memory_space<vmem>> -> memref<8x4096xf32, #tpu.memory_space<vmem>>
    %dma_start3A_464 = tpu.memref_slice %arg2[%multiple_of3A, %add3A_453] : memref<128x151296xf32, #tpu.memory_space<hbm>> -> memref<8x4096xf32, #tpu.memory_space<hbm>>
    tpu.enqueue_dma source(%dma_start3A_464 : memref<8x4096xf32, #tpu.memory_space<hbm>>) target(%dma_start3A_463 : memref<8x4096xf32, #tpu.memory_space<vmem>>) target_semaphore(%arg9 : memref<!tpu.dma_semaphore, #tpu.memory_space<semaphore_mem>>)
    %dma_wait3A_465 = arith.constant 1 : i32
    %dma_wait3A_466 = arith.constant 0 : i32
    %dma_wait3A_467 = arith.constant 0 : i32
    %dma_wait3A_468 = tpu.memref_slice %arg8[%dma_wait3A_465, %dma_wait3A_466, %dma_wait3A_467] : memref<3x8x4096xf32, #tpu.memory_space<vmem>> -> memref<1x8x4096xf32, #tpu.memory_space<vmem>>
    %dma_wait3A_469 = tpu.memref_squeeze %dma_wait3A_468 : memref<1x8x4096xf32, #tpu.memory_space<vmem>> -> memref<8x4096xf32, #tpu.memory_space<vmem>>
    %dma_wait3A_470 = tpu.memref_slice %arg2[%multiple_of3A, %add3A_353] : memref<128x151296xf32, #tpu.memory_space<hbm>> -> memref<8x4096xf32, #tpu.memory_space<hbm>>
    %dma_wait3A_471 = arith.constant 0 : i32
    %dma_wait3A_472 = arith.constant 0 : i32
    %dma_wait3A_473 = tpu.memref_slice %arg8[%dma_wait3A_465, %dma_wait3A_471, %dma_wait3A_472] : memref<3x8x4096xf32, #tpu.memory_space<vmem>> -> memref<1x8x4096xf32, #tpu.memory_space<vmem>>
    %dma_wait3A_474 = tpu.memref_squeeze %dma_wait3A_473 : memref<1x8x4096xf32, #tpu.memory_space<vmem>> -> memref<8x4096xf32, #tpu.memory_space<vmem>>
    %dma_wait3A_475 = tpu.memref_slice %arg2[%multiple_of3A, %add3A_353] : memref<128x151296xf32, #tpu.memory_space<hbm>> -> memref<8x4096xf32, #tpu.memory_space<hbm>>
    tpu.wait_dma2 semaphore(%arg10 : memref<!tpu.dma_semaphore, #tpu.memory_space<semaphore_mem>>) src(%dma_wait3A_475 : memref<8x4096xf32, #tpu.memory_space<hbm>>) dst(%dma_wait3A_474 : memref<8x4096xf32, #tpu.memory_space<vmem>>)
    %add3A_476 = arith.constant 15360 : i32
    %add3A_477 = arith.addi %add3A_476, %mul3A_22 : i32
    %add3A_478 = arith.constant 28672 : i32
    %add3A_479 = arith.addi %add3A_477, %add3A_478 : i32
    %dma_start3A_480 = arith.constant 1 : i32
    %dma_start3A_481 = arith.constant 0 : i32
    %dma_start3A_482 = arith.constant 0 : i32
    %dma_start3A_483 = tpu.memref_slice %arg8[%dma_start3A_480, %dma_start3A_481, %dma_start3A_482] : memref<3x8x4096xf32, #tpu.memory_space<vmem>> -> memref<1x8x4096xf32, #tpu.memory_space<vmem>>
    %dma_start3A_484 = tpu.memref_squeeze %dma_start3A_483 : memref<1x8x4096xf32, #tpu.memory_space<vmem>> -> memref<8x4096xf32, #tpu.memory_space<vmem>>
    %dma_start3A_485 = tpu.memref_slice %arg5[%multiple_of3A, %add3A_479] : memref<128x166656xf32, #tpu.memory_space<hbm>> -> memref<8x4096xf32, #tpu.memory_space<hbm>>
    %dma_start3A_486 = tpu.memref_slice %arg5[%multiple_of3A, %add3A_479] : memref<128x166656xf32, #tpu.memory_space<hbm>> -> memref<8x4096xf32, #tpu.memory_space<hbm>>
    %dma_start3A_487 = arith.constant 0 : i32
    %dma_start3A_488 = arith.constant 0 : i32
    %dma_start3A_489 = tpu.memref_slice %arg8[%dma_start3A_480, %dma_start3A_487, %dma_start3A_488] : memref<3x8x4096xf32, #tpu.memory_space<vmem>> -> memref<1x8x4096xf32, #tpu.memory_space<vmem>>
    %dma_start3A_490 = tpu.memref_squeeze %dma_start3A_489 : memref<1x8x4096xf32, #tpu.memory_space<vmem>> -> memref<8x4096xf32, #tpu.memory_space<vmem>>
    tpu.enqueue_dma source(%dma_start3A_490 : memref<8x4096xf32, #tpu.memory_space<vmem>>) target(%dma_start3A_486 : memref<8x4096xf32, #tpu.memory_space<hbm>>) target_semaphore(%arg13 : memref<!tpu.dma_semaphore, #tpu.memory_space<semaphore_mem>>)
    %dma_wait3A_491 = arith.constant 1 : i32
    %dma_wait3A_492 = arith.constant 0 : i32
    %dma_wait3A_493 = arith.constant 0 : i32
    %dma_wait3A_494 = tpu.memref_slice %arg8[%dma_wait3A_491, %dma_wait3A_492, %dma_wait3A_493] : memref<3x8x4096xf32, #tpu.memory_space<vmem>> -> memref<1x8x4096xf32, #tpu.memory_space<vmem>>
    %dma_wait3A_495 = tpu.memref_squeeze %dma_wait3A_494 : memref<1x8x4096xf32, #tpu.memory_space<vmem>> -> memref<8x4096xf32, #tpu.memory_space<vmem>>
    %dma_wait3A_496 = tpu.memref_slice %arg5[%multiple_of3A, %add3A_479] : memref<128x166656xf32, #tpu.memory_space<hbm>> -> memref<8x4096xf32, #tpu.memory_space<hbm>>
    %dma_wait3A_497 = tpu.memref_slice %arg5[%multiple_of3A, %add3A_479] : memref<128x166656xf32, #tpu.memory_space<hbm>> -> memref<8x4096xf32, #tpu.memory_space<hbm>>
    %dma_wait3A_498 = arith.constant 0 : i32
    %dma_wait3A_499 = arith.constant 0 : i32
    %dma_wait3A_500 = tpu.memref_slice %arg8[%dma_wait3A_491, %dma_wait3A_498, %dma_wait3A_499] : memref<3x8x4096xf32, #tpu.memory_space<vmem>> -> memref<1x8x4096xf32, #tpu.memory_space<vmem>>
    %dma_wait3A_501 = tpu.memref_squeeze %dma_wait3A_500 : memref<1x8x4096xf32, #tpu.memory_space<vmem>> -> memref<8x4096xf32, #tpu.memory_space<vmem>>
    tpu.wait_dma2 semaphore(%arg13 : memref<!tpu.dma_semaphore, #tpu.memory_space<semaphore_mem>>) src(%dma_wait3A_501 : memref<8x4096xf32, #tpu.memory_space<vmem>>) dst(%dma_wait3A_497 : memref<8x4096xf32, #tpu.memory_space<hbm>>)
    %add3A_502 = arith.constant 40960 : i32
    %add3A_503 = arith.addi %mul3A_22, %add3A_502 : i32
    %dma_start3A_504 = arith.constant 1 : i32
    %dma_start3A_505 = arith.constant 0 : i32
    %dma_start3A_506 = arith.constant 0 : i32
    %dma_start3A_507 = tpu.memref_slice %arg8[%dma_start3A_504, %dma_start3A_505, %dma_start3A_506] : memref<3x8x4096xf32, #tpu.memory_space<vmem>> -> memref<1x8x4096xf32, #tpu.memory_space<vmem>>
    %dma_start3A_508 = tpu.memref_squeeze %dma_start3A_507 : memref<1x8x4096xf32, #tpu.memory_space<vmem>> -> memref<8x4096xf32, #tpu.memory_space<vmem>>
    %dma_start3A_509 = tpu.memref_slice %arg2[%multiple_of3A, %add3A_503] : memref<128x151296xf32, #tpu.memory_space<hbm>> -> memref<8x4096xf32, #tpu.memory_space<hbm>>
    %dma_start3A_510 = arith.constant 0 : i32
    %dma_start3A_511 = arith.constant 0 : i32
    %dma_start3A_512 = tpu.memref_slice %arg8[%dma_start3A_504, %dma_start3A_510, %dma_start3A_511] : memref<3x8x4096xf32, #tpu.memory_space<vmem>> -> memref<1x8x4096xf32, #tpu.memory_space<vmem>>
    %dma_start3A_513 = tpu.memref_squeeze %dma_start3A_512 : memref<1x8x4096xf32, #tpu.memory_space<vmem>> -> memref<8x4096xf32, #tpu.memory_space<vmem>>
    %dma_start3A_514 = tpu.memref_slice %arg2[%multiple_of3A, %add3A_503] : memref<128x151296xf32, #tpu.memory_space<hbm>> -> memref<8x4096xf32, #tpu.memory_space<hbm>>
    tpu.enqueue_dma source(%dma_start3A_514 : memref<8x4096xf32, #tpu.memory_space<hbm>>) target(%dma_start3A_513 : memref<8x4096xf32, #tpu.memory_space<vmem>>) target_semaphore(%arg10 : memref<!tpu.dma_semaphore, #tpu.memory_space<semaphore_mem>>)
    %dma_wait3A_515 = arith.constant 2 : i32
    %dma_wait3A_516 = arith.constant 0 : i32
    %dma_wait3A_517 = arith.constant 0 : i32
    %dma_wait3A_518 = tpu.memref_slice %arg8[%dma_wait3A_515, %dma_wait3A_516, %dma_wait3A_517] : memref<3x8x4096xf32, #tpu.memory_space<vmem>> -> memref<1x8x4096xf32, #tpu.memory_space<vmem>>
    %dma_wait3A_519 = tpu.memref_squeeze %dma_wait3A_518 : memref<1x8x4096xf32, #tpu.memory_space<vmem>> -> memref<8x4096xf32, #tpu.memory_space<vmem>>
    %dma_wait3A_520 = tpu.memref_slice %arg2[%multiple_of3A, %add3A_403] : memref<128x151296xf32, #tpu.memory_space<hbm>> -> memref<8x4096xf32, #tpu.memory_space<hbm>>
    %dma_wait3A_521 = arith.constant 0 : i32
    %dma_wait3A_522 = arith.constant 0 : i32
    %dma_wait3A_523 = tpu.memref_slice %arg8[%dma_wait3A_515, %dma_wait3A_521, %dma_wait3A_522] : memref<3x8x4096xf32, #tpu.memory_space<vmem>> -> memref<1x8x4096xf32, #tpu.memory_space<vmem>>
    %dma_wait3A_524 = tpu.memref_squeeze %dma_wait3A_523 : memref<1x8x4096xf32, #tpu.memory_space<vmem>> -> memref<8x4096xf32, #tpu.memory_space<vmem>>
    %dma_wait3A_525 = tpu.memref_slice %arg2[%multiple_of3A, %add3A_403] : memref<128x151296xf32, #tpu.memory_space<hbm>> -> memref<8x4096xf32, #tpu.memory_space<hbm>>
    tpu.wait_dma2 semaphore(%arg11 : memref<!tpu.dma_semaphore, #tpu.memory_space<semaphore_mem>>) src(%dma_wait3A_525 : memref<8x4096xf32, #tpu.memory_space<hbm>>) dst(%dma_wait3A_524 : memref<8x4096xf32, #tpu.memory_space<vmem>>)
    %add3A_526 = arith.constant 15360 : i32
    %add3A_527 = arith.addi %add3A_526, %mul3A_22 : i32
    %add3A_528 = arith.constant 32768 : i32
    %add3A_529 = arith.addi %add3A_527, %add3A_528 : i32
    %dma_start3A_530 = arith.constant 2 : i32
    %dma_start3A_531 = arith.constant 0 : i32
    %dma_start3A_532 = arith.constant 0 : i32
    %dma_start3A_533 = tpu.memref_slice %arg8[%dma_start3A_530, %dma_start3A_531, %dma_start3A_532] : memref<3x8x4096xf32, #tpu.memory_space<vmem>> -> memref<1x8x4096xf32, #tpu.memory_space<vmem>>
    %dma_start3A_534 = tpu.memref_squeeze %dma_start3A_533 : memref<1x8x4096xf32, #tpu.memory_space<vmem>> -> memref<8x4096xf32, #tpu.memory_space<vmem>>
    %dma_start3A_535 = tpu.memref_slice %arg5[%multiple_of3A, %add3A_529] : memref<128x166656xf32, #tpu.memory_space<hbm>> -> memref<8x4096xf32, #tpu.memory_space<hbm>>
    %dma_start3A_536 = tpu.memref_slice %arg5[%multiple_of3A, %add3A_529] : memref<128x166656xf32, #tpu.memory_space<hbm>> -> memref<8x4096xf32, #tpu.memory_space<hbm>>
    %dma_start3A_537 = arith.constant 0 : i32
    %dma_start3A_538 = arith.constant 0 : i32
    %dma_start3A_539 = tpu.memref_slice %arg8[%dma_start3A_530, %dma_start3A_537, %dma_start3A_538] : memref<3x8x4096xf32, #tpu.memory_space<vmem>> -> memref<1x8x4096xf32, #tpu.memory_space<vmem>>
    %dma_start3A_540 = tpu.memref_squeeze %dma_start3A_539 : memref<1x8x4096xf32, #tpu.memory_space<vmem>> -> memref<8x4096xf32, #tpu.memory_space<vmem>>
    tpu.enqueue_dma source(%dma_start3A_540 : memref<8x4096xf32, #tpu.memory_space<vmem>>) target(%dma_start3A_536 : memref<8x4096xf32, #tpu.memory_space<hbm>>) target_semaphore(%arg14 : memref<!tpu.dma_semaphore, #tpu.memory_space<semaphore_mem>>)
    %dma_wait3A_541 = arith.constant 2 : i32
    %dma_wait3A_542 = arith.constant 0 : i32
    %dma_wait3A_543 = arith.constant 0 : i32
    %dma_wait3A_544 = tpu.memref_slice %arg8[%dma_wait3A_541, %dma_wait3A_542, %dma_wait3A_543] : memref<3x8x4096xf32, #tpu.memory_space<vmem>> -> memref<1x8x4096xf32, #tpu.memory_space<vmem>>
    %dma_wait3A_545 = tpu.memref_squeeze %dma_wait3A_544 : memref<1x8x4096xf32, #tpu.memory_space<vmem>> -> memref<8x4096xf32, #tpu.memory_space<vmem>>
    %dma_wait3A_546 = tpu.memref_slice %arg5[%multiple_of3A, %add3A_529] : memref<128x166656xf32, #tpu.memory_space<hbm>> -> memref<8x4096xf32, #tpu.memory_space<hbm>>
    %dma_wait3A_547 = tpu.memref_slice %arg5[%multiple_of3A, %add3A_529] : memref<128x166656xf32, #tpu.memory_space<hbm>> -> memref<8x4096xf32, #tpu.memory_space<hbm>>
    %dma_wait3A_548 = arith.constant 0 : i32
    %dma_wait3A_549 = arith.constant 0 : i32
    %dma_wait3A_550 = tpu.memref_slice %arg8[%dma_wait3A_541, %dma_wait3A_548, %dma_wait3A_549] : memref<3x8x4096xf32, #tpu.memory_space<vmem>> -> memref<1x8x4096xf32, #tpu.memory_space<vmem>>
    %dma_wait3A_551 = tpu.memref_squeeze %dma_wait3A_550 : memref<1x8x4096xf32, #tpu.memory_space<vmem>> -> memref<8x4096xf32, #tpu.memory_space<vmem>>
    tpu.wait_dma2 semaphore(%arg14 : memref<!tpu.dma_semaphore, #tpu.memory_space<semaphore_mem>>) src(%dma_wait3A_551 : memref<8x4096xf32, #tpu.memory_space<vmem>>) dst(%dma_wait3A_547 : memref<8x4096xf32, #tpu.memory_space<hbm>>)
    %add3A_552 = arith.constant 45056 : i32
    %add3A_553 = arith.addi %mul3A_22, %add3A_552 : i32
    %dma_start3A_554 = arith.constant 2 : i32
    %dma_start3A_555 = arith.constant 0 : i32
    %dma_start3A_556 = arith.constant 0 : i32
    %dma_start3A_557 = tpu.memref_slice %arg8[%dma_start3A_554, %dma_start3A_555, %dma_start3A_556] : memref<3x8x4096xf32, #tpu.memory_space<vmem>> -> memref<1x8x4096xf32, #tpu.memory_space<vmem>>
    %dma_start3A_558 = tpu.memref_squeeze %dma_start3A_557 : memref<1x8x4096xf32, #tpu.memory_space<vmem>> -> memref<8x4096xf32, #tpu.memory_space<vmem>>
    %dma_start3A_559 = tpu.memref_slice %arg2[%multiple_of3A, %add3A_553] : memref<128x151296xf32, #tpu.memory_space<hbm>> -> memref<8x4096xf32, #tpu.memory_space<hbm>>
    %dma_start3A_560 = arith.constant 0 : i32
    %dma_start3A_561 = arith.constant 0 : i32
    %dma_start3A_562 = tpu.memref_slice %arg8[%dma_start3A_554, %dma_start3A_560, %dma_start3A_561] : memref<3x8x4096xf32, #tpu.memory_space<vmem>> -> memref<1x8x4096xf32, #tpu.memory_space<vmem>>
    %dma_start3A_563 = tpu.memref_squeeze %dma_start3A_562 : memref<1x8x4096xf32, #tpu.memory_space<vmem>> -> memref<8x4096xf32, #tpu.memory_space<vmem>>
    %dma_start3A_564 = tpu.memref_slice %arg2[%multiple_of3A, %add3A_553] : memref<128x151296xf32, #tpu.memory_space<hbm>> -> memref<8x4096xf32, #tpu.memory_space<hbm>>
    tpu.enqueue_dma source(%dma_start3A_564 : memref<8x4096xf32, #tpu.memory_space<hbm>>) target(%dma_start3A_563 : memref<8x4096xf32, #tpu.memory_space<vmem>>) target_semaphore(%arg11 : memref<!tpu.dma_semaphore, #tpu.memory_space<semaphore_mem>>)
    %dma_wait3A_565 = arith.constant 0 : i32
    %dma_wait3A_566 = arith.constant 0 : i32
    %dma_wait3A_567 = arith.constant 0 : i32
    %dma_wait3A_568 = tpu.memref_slice %arg8[%dma_wait3A_565, %dma_wait3A_566, %dma_wait3A_567] : memref<3x8x4096xf32, #tpu.memory_space<vmem>> -> memref<1x8x4096xf32, #tpu.memory_space<vmem>>
    %dma_wait3A_569 = tpu.memref_squeeze %dma_wait3A_568 : memref<1x8x4096xf32, #tpu.memory_space<vmem>> -> memref<8x4096xf32, #tpu.memory_space<vmem>>
    %dma_wait3A_570 = tpu.memref_slice %arg2[%multiple_of3A, %add3A_453] : memref<128x151296xf32, #tpu.memory_space<hbm>> -> memref<8x4096xf32, #tpu.memory_space<hbm>>
    %dma_wait3A_571 = arith.constant 0 : i32
    %dma_wait3A_572 = arith.constant 0 : i32
    %dma_wait3A_573 = tpu.memref_slice %arg8[%dma_wait3A_565, %dma_wait3A_571, %dma_wait3A_572] : memref<3x8x4096xf32, #tpu.memory_space<vmem>> -> memref<1x8x4096xf32, #tpu.memory_space<vmem>>
    %dma_wait3A_574 = tpu.memref_squeeze %dma_wait3A_573 : memref<1x8x4096xf32, #tpu.memory_space<vmem>> -> memref<8x4096xf32, #tpu.memory_space<vmem>>
    %dma_wait3A_575 = tpu.memref_slice %arg2[%multiple_of3A, %add3A_453] : memref<128x151296xf32, #tpu.memory_space<hbm>> -> memref<8x4096xf32, #tpu.memory_space<hbm>>
    tpu.wait_dma2 semaphore(%arg9 : memref<!tpu.dma_semaphore, #tpu.memory_space<semaphore_mem>>) src(%dma_wait3A_575 : memref<8x4096xf32, #tpu.memory_space<hbm>>) dst(%dma_wait3A_574 : memref<8x4096xf32, #tpu.memory_space<vmem>>)
    %add3A_576 = arith.constant 15360 : i32
    %add3A_577 = arith.addi %add3A_576, %mul3A_22 : i32
    %add3A_578 = arith.constant 36864 : i32
    %add3A_579 = arith.addi %add3A_577, %add3A_578 : i32
    %dma_start3A_580 = arith.constant 0 : i32
    %dma_start3A_581 = arith.constant 0 : i32
    %dma_start3A_582 = arith.constant 0 : i32
    %dma_start3A_583 = tpu.memref_slice %arg8[%dma_start3A_580, %dma_start3A_581, %dma_start3A_582] : memref<3x8x4096xf32, #tpu.memory_space<vmem>> -> memref<1x8x4096xf32, #tpu.memory_space<vmem>>
    %dma_start3A_584 = tpu.memref_squeeze %dma_start3A_583 : memref<1x8x4096xf32, #tpu.memory_space<vmem>> -> memref<8x4096xf32, #tpu.memory_space<vmem>>
    %dma_start3A_585 = tpu.memref_slice %arg5[%multiple_of3A, %add3A_579] : memref<128x166656xf32, #tpu.memory_space<hbm>> -> memref<8x4096xf32, #tpu.memory_space<hbm>>
    %dma_start3A_586 = tpu.memref_slice %arg5[%multiple_of3A, %add3A_579] : memref<128x166656xf32, #tpu.memory_space<hbm>> -> memref<8x4096xf32, #tpu.memory_space<hbm>>
    %dma_start3A_587 = arith.constant 0 : i32
    %dma_start3A_588 = arith.constant 0 : i32
    %dma_start3A_589 = tpu.memref_slice %arg8[%dma_start3A_580, %dma_start3A_587, %dma_start3A_588] : memref<3x8x4096xf32, #tpu.memory_space<vmem>> -> memref<1x8x4096xf32, #tpu.memory_space<vmem>>
    %dma_start3A_590 = tpu.memref_squeeze %dma_start3A_589 : memref<1x8x4096xf32, #tpu.memory_space<vmem>> -> memref<8x4096xf32, #tpu.memory_space<vmem>>
    tpu.enqueue_dma source(%dma_start3A_590 : memref<8x4096xf32, #tpu.memory_space<vmem>>) target(%dma_start3A_586 : memref<8x4096xf32, #tpu.memory_space<hbm>>) target_semaphore(%arg12 : memref<!tpu.dma_semaphore, #tpu.memory_space<semaphore_mem>>)
    %dma_wait3A_591 = arith.constant 0 : i32
    %dma_wait3A_592 = arith.constant 0 : i32
    %dma_wait3A_593 = arith.constant 0 : i32
    %dma_wait3A_594 = tpu.memref_slice %arg8[%dma_wait3A_591, %dma_wait3A_592, %dma_wait3A_593] : memref<3x8x4096xf32, #tpu.memory_space<vmem>> -> memref<1x8x4096xf32, #tpu.memory_space<vmem>>
    %dma_wait3A_595 = tpu.memref_squeeze %dma_wait3A_594 : memref<1x8x4096xf32, #tpu.memory_space<vmem>> -> memref<8x4096xf32, #tpu.memory_space<vmem>>
    %dma_wait3A_596 = tpu.memref_slice %arg5[%multiple_of3A, %add3A_579] : memref<128x166656xf32, #tpu.memory_space<hbm>> -> memref<8x4096xf32, #tpu.memory_space<hbm>>
    %dma_wait3A_597 = tpu.memref_slice %arg5[%multiple_of3A, %add3A_579] : memref<128x166656xf32, #tpu.memory_space<hbm>> -> memref<8x4096xf32, #tpu.memory_space<hbm>>
    %dma_wait3A_598 = arith.constant 0 : i32
    %dma_wait3A_599 = arith.constant 0 : i32
    %dma_wait3A_600 = tpu.memref_slice %arg8[%dma_wait3A_591, %dma_wait3A_598, %dma_wait3A_599] : memref<3x8x4096xf32, #tpu.memory_space<vmem>> -> memref<1x8x4096xf32, #tpu.memory_space<vmem>>
    %dma_wait3A_601 = tpu.memref_squeeze %dma_wait3A_600 : memref<1x8x4096xf32, #tpu.memory_space<vmem>> -> memref<8x4096xf32, #tpu.memory_space<vmem>>
    tpu.wait_dma2 semaphore(%arg12 : memref<!tpu.dma_semaphore, #tpu.memory_space<semaphore_mem>>) src(%dma_wait3A_601 : memref<8x4096xf32, #tpu.memory_space<vmem>>) dst(%dma_wait3A_597 : memref<8x4096xf32, #tpu.memory_space<hbm>>)
    %add3A_602 = arith.constant 49152 : i32
    %add3A_603 = arith.addi %mul3A_22, %add3A_602 : i32
    %dma_start3A_604 = arith.constant 0 : i32
    %dma_start3A_605 = arith.constant 0 : i32
    %dma_start3A_606 = arith.constant 0 : i32
    %dma_start3A_607 = tpu.memref_slice %arg8[%dma_start3A_604, %dma_start3A_605, %dma_start3A_606] : memref<3x8x4096xf32, #tpu.memory_space<vmem>> -> memref<1x8x4096xf32, #tpu.memory_space<vmem>>
    %dma_start3A_608 = tpu.memref_squeeze %dma_start3A_607 : memref<1x8x4096xf32, #tpu.memory_space<vmem>> -> memref<8x4096xf32, #tpu.memory_space<vmem>>
    %dma_start3A_609 = tpu.memref_slice %arg2[%multiple_of3A, %add3A_603] : memref<128x151296xf32, #tpu.memory_space<hbm>> -> memref<8x4096xf32, #tpu.memory_space<hbm>>
    %dma_start3A_610 = arith.constant 0 : i32
    %dma_start3A_611 = arith.constant 0 : i32
    %dma_start3A_612 = tpu.memref_slice %arg8[%dma_start3A_604, %dma_start3A_610, %dma_start3A_611] : memref<3x8x4096xf32, #tpu.memory_space<vmem>> -> memref<1x8x4096xf32, #tpu.memory_space<vmem>>
    %dma_start3A_613 = tpu.memref_squeeze %dma_start3A_612 : memref<1x8x4096xf32, #tpu.memory_space<vmem>> -> memref<8x4096xf32, #tpu.memory_space<vmem>>
    %dma_start3A_614 = tpu.memref_slice %arg2[%multiple_of3A, %add3A_603] : memref<128x151296xf32, #tpu.memory_space<hbm>> -> memref<8x4096xf32, #tpu.memory_space<hbm>>
    tpu.enqueue_dma source(%dma_start3A_614 : memref<8x4096xf32, #tpu.memory_space<hbm>>) target(%dma_start3A_613 : memref<8x4096xf32, #tpu.memory_space<vmem>>) target_semaphore(%arg9 : memref<!tpu.dma_semaphore, #tpu.memory_space<semaphore_mem>>)
    %dma_wait3A_615 = arith.constant 1 : i32
    %dma_wait3A_616 = arith.constant 0 : i32
    %dma_wait3A_617 = arith.constant 0 : i32
    %dma_wait3A_618 = tpu.memref_slice %arg8[%dma_wait3A_615, %dma_wait3A_616, %dma_wait3A_617] : memref<3x8x4096xf32, #tpu.memory_space<vmem>> -> memref<1x8x4096xf32, #tpu.memory_space<vmem>>
    %dma_wait3A_619 = tpu.memref_squeeze %dma_wait3A_618 : memref<1x8x4096xf32, #tpu.memory_space<vmem>> -> memref<8x4096xf32, #tpu.memory_space<vmem>>
    %dma_wait3A_620 = tpu.memref_slice %arg2[%multiple_of3A, %add3A_503] : memref<128x151296xf32, #tpu.memory_space<hbm>> -> memref<8x4096xf32, #tpu.memory_space<hbm>>
    %dma_wait3A_621 = arith.constant 0 : i32
    %dma_wait3A_622 = arith.constant 0 : i32
    %dma_wait3A_623 = tpu.memref_slice %arg8[%dma_wait3A_615, %dma_wait3A_621, %dma_wait3A_622] : memref<3x8x4096xf32, #tpu.memory_space<vmem>> -> memref<1x8x4096xf32, #tpu.memory_space<vmem>>
    %dma_wait3A_624 = tpu.memref_squeeze %dma_wait3A_623 : memref<1x8x4096xf32, #tpu.memory_space<vmem>> -> memref<8x4096xf32, #tpu.memory_space<vmem>>
    %dma_wait3A_625 = tpu.memref_slice %arg2[%multiple_of3A, %add3A_503] : memref<128x151296xf32, #tpu.memory_space<hbm>> -> memref<8x4096xf32, #tpu.memory_space<hbm>>
    tpu.wait_dma2 semaphore(%arg10 : memref<!tpu.dma_semaphore, #tpu.memory_space<semaphore_mem>>) src(%dma_wait3A_625 : memref<8x4096xf32, #tpu.memory_space<hbm>>) dst(%dma_wait3A_624 : memref<8x4096xf32, #tpu.memory_space<vmem>>)
    %add3A_626 = arith.constant 15360 : i32
    %add3A_627 = arith.addi %add3A_626, %mul3A_22 : i32
    %add3A_628 = arith.constant 40960 : i32
    %add3A_629 = arith.addi %add3A_627, %add3A_628 : i32
    %dma_start3A_630 = arith.constant 1 : i32
    %dma_start3A_631 = arith.constant 0 : i32
    %dma_start3A_632 = arith.constant 0 : i32
    %dma_start3A_633 = tpu.memref_slice %arg8[%dma_start3A_630, %dma_start3A_631, %dma_start3A_632] : memref<3x8x4096xf32, #tpu.memory_space<vmem>> -> memref<1x8x4096xf32, #tpu.memory_space<vmem>>
    %dma_start3A_634 = tpu.memref_squeeze %dma_start3A_633 : memref<1x8x4096xf32, #tpu.memory_space<vmem>> -> memref<8x4096xf32, #tpu.memory_space<vmem>>
    %dma_start3A_635 = tpu.memref_slice %arg5[%multiple_of3A, %add3A_629] : memref<128x166656xf32, #tpu.memory_space<hbm>> -> memref<8x4096xf32, #tpu.memory_space<hbm>>
    %dma_start3A_636 = tpu.memref_slice %arg5[%multiple_of3A, %add3A_629] : memref<128x166656xf32, #tpu.memory_space<hbm>> -> memref<8x4096xf32, #tpu.memory_space<hbm>>
    %dma_start3A_637 = arith.constant 0 : i32
    %dma_start3A_638 = arith.constant 0 : i32
    %dma_start3A_639 = tpu.memref_slice %arg8[%dma_start3A_630, %dma_start3A_637, %dma_start3A_638] : memref<3x8x4096xf32, #tpu.memory_space<vmem>> -> memref<1x8x4096xf32, #tpu.memory_space<vmem>>
    %dma_start3A_640 = tpu.memref_squeeze %dma_start3A_639 : memref<1x8x4096xf32, #tpu.memory_space<vmem>> -> memref<8x4096xf32, #tpu.memory_space<vmem>>
    tpu.enqueue_dma source(%dma_start3A_640 : memref<8x4096xf32, #tpu.memory_space<vmem>>) target(%dma_start3A_636 : memref<8x4096xf32, #tpu.memory_space<hbm>>) target_semaphore(%arg13 : memref<!tpu.dma_semaphore, #tpu.memory_space<semaphore_mem>>)
    %dma_wait3A_641 = arith.constant 1 : i32
    %dma_wait3A_642 = arith.constant 0 : i32
    %dma_wait3A_643 = arith.constant 0 : i32
    %dma_wait3A_644 = tpu.memref_slice %arg8[%dma_wait3A_641, %dma_wait3A_642, %dma_wait3A_643] : memref<3x8x4096xf32, #tpu.memory_space<vmem>> -> memref<1x8x4096xf32, #tpu.memory_space<vmem>>
    %dma_wait3A_645 = tpu.memref_squeeze %dma_wait3A_644 : memref<1x8x4096xf32, #tpu.memory_space<vmem>> -> memref<8x4096xf32, #tpu.memory_space<vmem>>
    %dma_wait3A_646 = tpu.memref_slice %arg5[%multiple_of3A, %add3A_629] : memref<128x166656xf32, #tpu.memory_space<hbm>> -> memref<8x4096xf32, #tpu.memory_space<hbm>>
    %dma_wait3A_647 = tpu.memref_slice %arg5[%multiple_of3A, %add3A_629] : memref<128x166656xf32, #tpu.memory_space<hbm>> -> memref<8x4096xf32, #tpu.memory_space<hbm>>
    %dma_wait3A_648 = arith.constant 0 : i32
    %dma_wait3A_649 = arith.constant 0 : i32
    %dma_wait3A_650 = tpu.memref_slice %arg8[%dma_wait3A_641, %dma_wait3A_648, %dma_wait3A_649] : memref<3x8x4096xf32, #tpu.memory_space<vmem>> -> memref<1x8x4096xf32, #tpu.memory_space<vmem>>
    %dma_wait3A_651 = tpu.memref_squeeze %dma_wait3A_650 : memref<1x8x4096xf32, #tpu.memory_space<vmem>> -> memref<8x4096xf32, #tpu.memory_space<vmem>>
    tpu.wait_dma2 semaphore(%arg13 : memref<!tpu.dma_semaphore, #tpu.memory_space<semaphore_mem>>) src(%dma_wait3A_651 : memref<8x4096xf32, #tpu.memory_space<vmem>>) dst(%dma_wait3A_647 : memref<8x4096xf32, #tpu.memory_space<hbm>>)
    %add3A_652 = arith.constant 53248 : i32
    %add3A_653 = arith.addi %mul3A_22, %add3A_652 : i32
    %dma_start3A_654 = arith.constant 1 : i32
    %dma_start3A_655 = arith.constant 0 : i32
    %dma_start3A_656 = arith.constant 0 : i32
    %dma_start3A_657 = tpu.memref_slice %arg8[%dma_start3A_654, %dma_start3A_655, %dma_start3A_656] : memref<3x8x4096xf32, #tpu.memory_space<vmem>> -> memref<1x8x4096xf32, #tpu.memory_space<vmem>>
    %dma_start3A_658 = tpu.memref_squeeze %dma_start3A_657 : memref<1x8x4096xf32, #tpu.memory_space<vmem>> -> memref<8x4096xf32, #tpu.memory_space<vmem>>
    %dma_start3A_659 = tpu.memref_slice %arg2[%multiple_of3A, %add3A_653] : memref<128x151296xf32, #tpu.memory_space<hbm>> -> memref<8x4096xf32, #tpu.memory_space<hbm>>
    %dma_start3A_660 = arith.constant 0 : i32
    %dma_start3A_661 = arith.constant 0 : i32
    %dma_start3A_662 = tpu.memref_slice %arg8[%dma_start3A_654, %dma_start3A_660, %dma_start3A_661] : memref<3x8x4096xf32, #tpu.memory_space<vmem>> -> memref<1x8x4096xf32, #tpu.memory_space<vmem>>
    %dma_start3A_663 = tpu.memref_squeeze %dma_start3A_662 : memref<1x8x4096xf32, #tpu.memory_space<vmem>> -> memref<8x4096xf32, #tpu.memory_space<vmem>>
    %dma_start3A_664 = tpu.memref_slice %arg2[%multiple_of3A, %add3A_653] : memref<128x151296xf32, #tpu.memory_space<hbm>> -> memref<8x4096xf32, #tpu.memory_space<hbm>>
    tpu.enqueue_dma source(%dma_start3A_664 : memref<8x4096xf32, #tpu.memory_space<hbm>>) target(%dma_start3A_663 : memref<8x4096xf32, #tpu.memory_space<vmem>>) target_semaphore(%arg10 : memref<!tpu.dma_semaphore, #tpu.memory_space<semaphore_mem>>)
    %dma_wait3A_665 = arith.constant 2 : i32
    %dma_wait3A_666 = arith.constant 0 : i32
    %dma_wait3A_667 = arith.constant 0 : i32
    %dma_wait3A_668 = tpu.memref_slice %arg8[%dma_wait3A_665, %dma_wait3A_666, %dma_wait3A_667] : memref<3x8x4096xf32, #tpu.memory_space<vmem>> -> memref<1x8x4096xf32, #tpu.memory_space<vmem>>
    %dma_wait3A_669 = tpu.memref_squeeze %dma_wait3A_668 : memref<1x8x4096xf32, #tpu.memory_space<vmem>> -> memref<8x4096xf32, #tpu.memory_space<vmem>>
    %dma_wait3A_670 = tpu.memref_slice %arg2[%multiple_of3A, %add3A_553] : memref<128x151296xf32, #tpu.memory_space<hbm>> -> memref<8x4096xf32, #tpu.memory_space<hbm>>
    %dma_wait3A_671 = arith.constant 0 : i32
    %dma_wait3A_672 = arith.constant 0 : i32
    %dma_wait3A_673 = tpu.memref_slice %arg8[%dma_wait3A_665, %dma_wait3A_671, %dma_wait3A_672] : memref<3x8x4096xf32, #tpu.memory_space<vmem>> -> memref<1x8x4096xf32, #tpu.memory_space<vmem>>
    %dma_wait3A_674 = tpu.memref_squeeze %dma_wait3A_673 : memref<1x8x4096xf32, #tpu.memory_space<vmem>> -> memref<8x4096xf32, #tpu.memory_space<vmem>>
    %dma_wait3A_675 = tpu.memref_slice %arg2[%multiple_of3A, %add3A_553] : memref<128x151296xf32, #tpu.memory_space<hbm>> -> memref<8x4096xf32, #tpu.memory_space<hbm>>
    tpu.wait_dma2 semaphore(%arg11 : memref<!tpu.dma_semaphore, #tpu.memory_space<semaphore_mem>>) src(%dma_wait3A_675 : memref<8x4096xf32, #tpu.memory_space<hbm>>) dst(%dma_wait3A_674 : memref<8x4096xf32, #tpu.memory_space<vmem>>)
    %add3A_676 = arith.constant 15360 : i32
    %add3A_677 = arith.addi %add3A_676, %mul3A_22 : i32
    %add3A_678 = arith.constant 45056 : i32
    %add3A_679 = arith.addi %add3A_677, %add3A_678 : i32
    %dma_start3A_680 = arith.constant 2 : i32
    %dma_start3A_681 = arith.constant 0 : i32
    %dma_start3A_682 = arith.constant 0 : i32
    %dma_start3A_683 = tpu.memref_slice %arg8[%dma_start3A_680, %dma_start3A_681, %dma_start3A_682] : memref<3x8x4096xf32, #tpu.memory_space<vmem>> -> memref<1x8x4096xf32, #tpu.memory_space<vmem>>
    %dma_start3A_684 = tpu.memref_squeeze %dma_start3A_683 : memref<1x8x4096xf32, #tpu.memory_space<vmem>> -> memref<8x4096xf32, #tpu.memory_space<vmem>>
    %dma_start3A_685 = tpu.memref_slice %arg5[%multiple_of3A, %add3A_679] : memref<128x166656xf32, #tpu.memory_space<hbm>> -> memref<8x4096xf32, #tpu.memory_space<hbm>>
    %dma_start3A_686 = tpu.memref_slice %arg5[%multiple_of3A, %add3A_679] : memref<128x166656xf32, #tpu.memory_space<hbm>> -> memref<8x4096xf32, #tpu.memory_space<hbm>>
    %dma_start3A_687 = arith.constant 0 : i32
    %dma_start3A_688 = arith.constant 0 : i32
    %dma_start3A_689 = tpu.memref_slice %arg8[%dma_start3A_680, %dma_start3A_687, %dma_start3A_688] : memref<3x8x4096xf32, #tpu.memory_space<vmem>> -> memref<1x8x4096xf32, #tpu.memory_space<vmem>>
    %dma_start3A_690 = tpu.memref_squeeze %dma_start3A_689 : memref<1x8x4096xf32, #tpu.memory_space<vmem>> -> memref<8x4096xf32, #tpu.memory_space<vmem>>
    tpu.enqueue_dma source(%dma_start3A_690 : memref<8x4096xf32, #tpu.memory_space<vmem>>) target(%dma_start3A_686 : memref<8x4096xf32, #tpu.memory_space<hbm>>) target_semaphore(%arg14 : memref<!tpu.dma_semaphore, #tpu.memory_space<semaphore_mem>>)
    %dma_wait3A_691 = arith.constant 2 : i32
    %dma_wait3A_692 = arith.constant 0 : i32
    %dma_wait3A_693 = arith.constant 0 : i32
    %dma_wait3A_694 = tpu.memref_slice %arg8[%dma_wait3A_691, %dma_wait3A_692, %dma_wait3A_693] : memref<3x8x4096xf32, #tpu.memory_space<vmem>> -> memref<1x8x4096xf32, #tpu.memory_space<vmem>>
    %dma_wait3A_695 = tpu.memref_squeeze %dma_wait3A_694 : memref<1x8x4096xf32, #tpu.memory_space<vmem>> -> memref<8x4096xf32, #tpu.memory_space<vmem>>
    %dma_wait3A_696 = tpu.memref_slice %arg5[%multiple_of3A, %add3A_679] : memref<128x166656xf32, #tpu.memory_space<hbm>> -> memref<8x4096xf32, #tpu.memory_space<hbm>>
    %dma_wait3A_697 = tpu.memref_slice %arg5[%multiple_of3A, %add3A_679] : memref<128x166656xf32, #tpu.memory_space<hbm>> -> memref<8x4096xf32, #tpu.memory_space<hbm>>
    %dma_wait3A_698 = arith.constant 0 : i32
    %dma_wait3A_699 = arith.constant 0 : i32
    %dma_wait3A_700 = tpu.memref_slice %arg8[%dma_wait3A_691, %dma_wait3A_698, %dma_wait3A_699] : memref<3x8x4096xf32, #tpu.memory_space<vmem>> -> memref<1x8x4096xf32, #tpu.memory_space<vmem>>
    %dma_wait3A_701 = tpu.memref_squeeze %dma_wait3A_700 : memref<1x8x4096xf32, #tpu.memory_space<vmem>> -> memref<8x4096xf32, #tpu.memory_space<vmem>>
    tpu.wait_dma2 semaphore(%arg14 : memref<!tpu.dma_semaphore, #tpu.memory_space<semaphore_mem>>) src(%dma_wait3A_701 : memref<8x4096xf32, #tpu.memory_space<vmem>>) dst(%dma_wait3A_697 : memref<8x4096xf32, #tpu.memory_space<hbm>>)
    %add3A_702 = arith.constant 57344 : i32
    %add3A_703 = arith.addi %mul3A_22, %add3A_702 : i32
    %dma_start3A_704 = arith.constant 2 : i32
    %dma_start3A_705 = arith.constant 0 : i32
    %dma_start3A_706 = arith.constant 0 : i32
    %dma_start3A_707 = tpu.memref_slice %arg8[%dma_start3A_704, %dma_start3A_705, %dma_start3A_706] : memref<3x8x4096xf32, #tpu.memory_space<vmem>> -> memref<1x8x4096xf32, #tpu.memory_space<vmem>>
    %dma_start3A_708 = tpu.memref_squeeze %dma_start3A_707 : memref<1x8x4096xf32, #tpu.memory_space<vmem>> -> memref<8x4096xf32, #tpu.memory_space<vmem>>
    %dma_start3A_709 = tpu.memref_slice %arg2[%multiple_of3A, %add3A_703] : memref<128x151296xf32, #tpu.memory_space<hbm>> -> memref<8x4096xf32, #tpu.memory_space<hbm>>
    %dma_start3A_710 = arith.constant 0 : i32
    %dma_start3A_711 = arith.constant 0 : i32
    %dma_start3A_712 = tpu.memref_slice %arg8[%dma_start3A_704, %dma_start3A_710, %dma_start3A_711] : memref<3x8x4096xf32, #tpu.memory_space<vmem>> -> memref<1x8x4096xf32, #tpu.memory_space<vmem>>
    %dma_start3A_713 = tpu.memref_squeeze %dma_start3A_712 : memref<1x8x4096xf32, #tpu.memory_space<vmem>> -> memref<8x4096xf32, #tpu.memory_space<vmem>>
    %dma_start3A_714 = tpu.memref_slice %arg2[%multiple_of3A, %add3A_703] : memref<128x151296xf32, #tpu.memory_space<hbm>> -> memref<8x4096xf32, #tpu.memory_space<hbm>>
    tpu.enqueue_dma source(%dma_start3A_714 : memref<8x4096xf32, #tpu.memory_space<hbm>>) target(%dma_start3A_713 : memref<8x4096xf32, #tpu.memory_space<vmem>>) target_semaphore(%arg11 : memref<!tpu.dma_semaphore, #tpu.memory_space<semaphore_mem>>)
    %dma_wait3A_715 = arith.constant 0 : i32
    %dma_wait3A_716 = arith.constant 0 : i32
    %dma_wait3A_717 = arith.constant 0 : i32
    %dma_wait3A_718 = tpu.memref_slice %arg8[%dma_wait3A_715, %dma_wait3A_716, %dma_wait3A_717] : memref<3x8x4096xf32, #tpu.memory_space<vmem>> -> memref<1x8x4096xf32, #tpu.memory_space<vmem>>
    %dma_wait3A_719 = tpu.memref_squeeze %dma_wait3A_718 : memref<1x8x4096xf32, #tpu.memory_space<vmem>> -> memref<8x4096xf32, #tpu.memory_space<vmem>>
    %dma_wait3A_720 = tpu.memref_slice %arg2[%multiple_of3A, %add3A_603] : memref<128x151296xf32, #tpu.memory_space<hbm>> -> memref<8x4096xf32, #tpu.memory_space<hbm>>
    %dma_wait3A_721 = arith.constant 0 : i32
    %dma_wait3A_722 = arith.constant 0 : i32
    %dma_wait3A_723 = tpu.memref_slice %arg8[%dma_wait3A_715, %dma_wait3A_721, %dma_wait3A_722] : memref<3x8x4096xf32, #tpu.memory_space<vmem>> -> memref<1x8x4096xf32, #tpu.memory_space<vmem>>
    %dma_wait3A_724 = tpu.memref_squeeze %dma_wait3A_723 : memref<1x8x4096xf32, #tpu.memory_space<vmem>> -> memref<8x4096xf32, #tpu.memory_space<vmem>>
    %dma_wait3A_725 = tpu.memref_slice %arg2[%multiple_of3A, %add3A_603] : memref<128x151296xf32, #tpu.memory_space<hbm>> -> memref<8x4096xf32, #tpu.memory_space<hbm>>
    tpu.wait_dma2 semaphore(%arg9 : memref<!tpu.dma_semaphore, #tpu.memory_space<semaphore_mem>>) src(%dma_wait3A_725 : memref<8x4096xf32, #tpu.memory_space<hbm>>) dst(%dma_wait3A_724 : memref<8x4096xf32, #tpu.memory_space<vmem>>)
    %add3A_726 = arith.constant 15360 : i32
    %add3A_727 = arith.addi %add3A_726, %mul3A_22 : i32
    %add3A_728 = arith.constant 49152 : i32
    %add3A_729 = arith.addi %add3A_727, %add3A_728 : i32
    %dma_start3A_730 = arith.constant 0 : i32
    %dma_start3A_731 = arith.constant 0 : i32
    %dma_start3A_732 = arith.constant 0 : i32
    %dma_start3A_733 = tpu.memref_slice %arg8[%dma_start3A_730, %dma_start3A_731, %dma_start3A_732] : memref<3x8x4096xf32, #tpu.memory_space<vmem>> -> memref<1x8x4096xf32, #tpu.memory_space<vmem>>
    %dma_start3A_734 = tpu.memref_squeeze %dma_start3A_733 : memref<1x8x4096xf32, #tpu.memory_space<vmem>> -> memref<8x4096xf32, #tpu.memory_space<vmem>>
    %dma_start3A_735 = tpu.memref_slice %arg5[%multiple_of3A, %add3A_729] : memref<128x166656xf32, #tpu.memory_space<hbm>> -> memref<8x4096xf32, #tpu.memory_space<hbm>>
    %dma_start3A_736 = tpu.memref_slice %arg5[%multiple_of3A, %add3A_729] : memref<128x166656xf32, #tpu.memory_space<hbm>> -> memref<8x4096xf32, #tpu.memory_space<hbm>>
    %dma_start3A_737 = arith.constant 0 : i32
    %dma_start3A_738 = arith.constant 0 : i32
    %dma_start3A_739 = tpu.memref_slice %arg8[%dma_start3A_730, %dma_start3A_737, %dma_start3A_738] : memref<3x8x4096xf32, #tpu.memory_space<vmem>> -> memref<1x8x4096xf32, #tpu.memory_space<vmem>>
    %dma_start3A_740 = tpu.memref_squeeze %dma_start3A_739 : memref<1x8x4096xf32, #tpu.memory_space<vmem>> -> memref<8x4096xf32, #tpu.memory_space<vmem>>
    tpu.enqueue_dma source(%dma_start3A_740 : memref<8x4096xf32, #tpu.memory_space<vmem>>) target(%dma_start3A_736 : memref<8x4096xf32, #tpu.memory_space<hbm>>) target_semaphore(%arg12 : memref<!tpu.dma_semaphore, #tpu.memory_space<semaphore_mem>>)
    %dma_wait3A_741 = arith.constant 0 : i32
    %dma_wait3A_742 = arith.constant 0 : i32
    %dma_wait3A_743 = arith.constant 0 : i32
    %dma_wait3A_744 = tpu.memref_slice %arg8[%dma_wait3A_741, %dma_wait3A_742, %dma_wait3A_743] : memref<3x8x4096xf32, #tpu.memory_space<vmem>> -> memref<1x8x4096xf32, #tpu.memory_space<vmem>>
    %dma_wait3A_745 = tpu.memref_squeeze %dma_wait3A_744 : memref<1x8x4096xf32, #tpu.memory_space<vmem>> -> memref<8x4096xf32, #tpu.memory_space<vmem>>
    %dma_wait3A_746 = tpu.memref_slice %arg5[%multiple_of3A, %add3A_729] : memref<128x166656xf32, #tpu.memory_space<hbm>> -> memref<8x4096xf32, #tpu.memory_space<hbm>>
    %dma_wait3A_747 = tpu.memref_slice %arg5[%multiple_of3A, %add3A_729] : memref<128x166656xf32, #tpu.memory_space<hbm>> -> memref<8x4096xf32, #tpu.memory_space<hbm>>
    %dma_wait3A_748 = arith.constant 0 : i32
    %dma_wait3A_749 = arith.constant 0 : i32
    %dma_wait3A_750 = tpu.memref_slice %arg8[%dma_wait3A_741, %dma_wait3A_748, %dma_wait3A_749] : memref<3x8x4096xf32, #tpu.memory_space<vmem>> -> memref<1x8x4096xf32, #tpu.memory_space<vmem>>
    %dma_wait3A_751 = tpu.memref_squeeze %dma_wait3A_750 : memref<1x8x4096xf32, #tpu.memory_space<vmem>> -> memref<8x4096xf32, #tpu.memory_space<vmem>>
    tpu.wait_dma2 semaphore(%arg12 : memref<!tpu.dma_semaphore, #tpu.memory_space<semaphore_mem>>) src(%dma_wait3A_751 : memref<8x4096xf32, #tpu.memory_space<vmem>>) dst(%dma_wait3A_747 : memref<8x4096xf32, #tpu.memory_space<hbm>>)
    %add3A_752 = arith.constant 61440 : i32
    %add3A_753 = arith.addi %mul3A_22, %add3A_752 : i32
    %dma_start3A_754 = arith.constant 0 : i32
    %dma_start3A_755 = arith.constant 0 : i32
    %dma_start3A_756 = arith.constant 0 : i32
    %dma_start3A_757 = tpu.memref_slice %arg8[%dma_start3A_754, %dma_start3A_755, %dma_start3A_756] : memref<3x8x4096xf32, #tpu.memory_space<vmem>> -> memref<1x8x4096xf32, #tpu.memory_space<vmem>>
    %dma_start3A_758 = tpu.memref_squeeze %dma_start3A_757 : memref<1x8x4096xf32, #tpu.memory_space<vmem>> -> memref<8x4096xf32, #tpu.memory_space<vmem>>
    %dma_start3A_759 = tpu.memref_slice %arg2[%multiple_of3A, %add3A_753] : memref<128x151296xf32, #tpu.memory_space<hbm>> -> memref<8x4096xf32, #tpu.memory_space<hbm>>
    %dma_start3A_760 = arith.constant 0 : i32
    %dma_start3A_761 = arith.constant 0 : i32
    %dma_start3A_762 = tpu.memref_slice %arg8[%dma_start3A_754, %dma_start3A_760, %dma_start3A_761] : memref<3x8x4096xf32, #tpu.memory_space<vmem>> -> memref<1x8x4096xf32, #tpu.memory_space<vmem>>
    %dma_start3A_763 = tpu.memref_squeeze %dma_start3A_762 : memref<1x8x4096xf32, #tpu.memory_space<vmem>> -> memref<8x4096xf32, #tpu.memory_space<vmem>>
    %dma_start3A_764 = tpu.memref_slice %arg2[%multiple_of3A, %add3A_753] : memref<128x151296xf32, #tpu.memory_space<hbm>> -> memref<8x4096xf32, #tpu.memory_space<hbm>>
    tpu.enqueue_dma source(%dma_start3A_764 : memref<8x4096xf32, #tpu.memory_space<hbm>>) target(%dma_start3A_763 : memref<8x4096xf32, #tpu.memory_space<vmem>>) target_semaphore(%arg9 : memref<!tpu.dma_semaphore, #tpu.memory_space<semaphore_mem>>)
    %dma_wait3A_765 = arith.constant 1 : i32
    %dma_wait3A_766 = arith.constant 0 : i32
    %dma_wait3A_767 = arith.constant 0 : i32
    %dma_wait3A_768 = tpu.memref_slice %arg8[%dma_wait3A_765, %dma_wait3A_766, %dma_wait3A_767] : memref<3x8x4096xf32, #tpu.memory_space<vmem>> -> memref<1x8x4096xf32, #tpu.memory_space<vmem>>
    %dma_wait3A_769 = tpu.memref_squeeze %dma_wait3A_768 : memref<1x8x4096xf32, #tpu.memory_space<vmem>> -> memref<8x4096xf32, #tpu.memory_space<vmem>>
    %dma_wait3A_770 = tpu.memref_slice %arg2[%multiple_of3A, %add3A_653] : memref<128x151296xf32, #tpu.memory_space<hbm>> -> memref<8x4096xf32, #tpu.memory_space<hbm>>
    %dma_wait3A_771 = arith.constant 0 : i32
    %dma_wait3A_772 = arith.constant 0 : i32
    %dma_wait3A_773 = tpu.memref_slice %arg8[%dma_wait3A_765, %dma_wait3A_771, %dma_wait3A_772] : memref<3x8x4096xf32, #tpu.memory_space<vmem>> -> memref<1x8x4096xf32, #tpu.memory_space<vmem>>
    %dma_wait3A_774 = tpu.memref_squeeze %dma_wait3A_773 : memref<1x8x4096xf32, #tpu.memory_space<vmem>> -> memref<8x4096xf32, #tpu.memory_space<vmem>>
    %dma_wait3A_775 = tpu.memref_slice %arg2[%multiple_of3A, %add3A_653] : memref<128x151296xf32, #tpu.memory_space<hbm>> -> memref<8x4096xf32, #tpu.memory_space<hbm>>
    tpu.wait_dma2 semaphore(%arg10 : memref<!tpu.dma_semaphore, #tpu.memory_space<semaphore_mem>>) src(%dma_wait3A_775 : memref<8x4096xf32, #tpu.memory_space<hbm>>) dst(%dma_wait3A_774 : memref<8x4096xf32, #tpu.memory_space<vmem>>)
    %add3A_776 = arith.constant 15360 : i32
    %add3A_777 = arith.addi %add3A_776, %mul3A_22 : i32
    %add3A_778 = arith.constant 53248 : i32
    %add3A_779 = arith.addi %add3A_777, %add3A_778 : i32
    %dma_start3A_780 = arith.constant 1 : i32
    %dma_start3A_781 = arith.constant 0 : i32
    %dma_start3A_782 = arith.constant 0 : i32
    %dma_start3A_783 = tpu.memref_slice %arg8[%dma_start3A_780, %dma_start3A_781, %dma_start3A_782] : memref<3x8x4096xf32, #tpu.memory_space<vmem>> -> memref<1x8x4096xf32, #tpu.memory_space<vmem>>
    %dma_start3A_784 = tpu.memref_squeeze %dma_start3A_783 : memref<1x8x4096xf32, #tpu.memory_space<vmem>> -> memref<8x4096xf32, #tpu.memory_space<vmem>>
    %dma_start3A_785 = tpu.memref_slice %arg5[%multiple_of3A, %add3A_779] : memref<128x166656xf32, #tpu.memory_space<hbm>> -> memref<8x4096xf32, #tpu.memory_space<hbm>>
    %dma_start3A_786 = tpu.memref_slice %arg5[%multiple_of3A, %add3A_779] : memref<128x166656xf32, #tpu.memory_space<hbm>> -> memref<8x4096xf32, #tpu.memory_space<hbm>>
    %dma_start3A_787 = arith.constant 0 : i32
    %dma_start3A_788 = arith.constant 0 : i32
    %dma_start3A_789 = tpu.memref_slice %arg8[%dma_start3A_780, %dma_start3A_787, %dma_start3A_788] : memref<3x8x4096xf32, #tpu.memory_space<vmem>> -> memref<1x8x4096xf32, #tpu.memory_space<vmem>>
    %dma_start3A_790 = tpu.memref_squeeze %dma_start3A_789 : memref<1x8x4096xf32, #tpu.memory_space<vmem>> -> memref<8x4096xf32, #tpu.memory_space<vmem>>
    tpu.enqueue_dma source(%dma_start3A_790 : memref<8x4096xf32, #tpu.memory_space<vmem>>) target(%dma_start3A_786 : memref<8x4096xf32, #tpu.memory_space<hbm>>) target_semaphore(%arg13 : memref<!tpu.dma_semaphore, #tpu.memory_space<semaphore_mem>>)
    %dma_wait3A_791 = arith.constant 1 : i32
    %dma_wait3A_792 = arith.constant 0 : i32
    %dma_wait3A_793 = arith.constant 0 : i32
    %dma_wait3A_794 = tpu.memref_slice %arg8[%dma_wait3A_791, %dma_wait3A_792, %dma_wait3A_793] : memref<3x8x4096xf32, #tpu.memory_space<vmem>> -> memref<1x8x4096xf32, #tpu.memory_space<vmem>>
    %dma_wait3A_795 = tpu.memref_squeeze %dma_wait3A_794 : memref<1x8x4096xf32, #tpu.memory_space<vmem>> -> memref<8x4096xf32, #tpu.memory_space<vmem>>
    %dma_wait3A_796 = tpu.memref_slice %arg5[%multiple_of3A, %add3A_779] : memref<128x166656xf32, #tpu.memory_space<hbm>> -> memref<8x4096xf32, #tpu.memory_space<hbm>>
    %dma_wait3A_797 = tpu.memref_slice %arg5[%multiple_of3A, %add3A_779] : memref<128x166656xf32, #tpu.memory_space<hbm>> -> memref<8x4096xf32, #tpu.memory_space<hbm>>
    %dma_wait3A_798 = arith.constant 0 : i32
    %dma_wait3A_799 = arith.constant 0 : i32
    %dma_wait3A_800 = tpu.memref_slice %arg8[%dma_wait3A_791, %dma_wait3A_798, %dma_wait3A_799] : memref<3x8x4096xf32, #tpu.memory_space<vmem>> -> memref<1x8x4096xf32, #tpu.memory_space<vmem>>
    %dma_wait3A_801 = tpu.memref_squeeze %dma_wait3A_800 : memref<1x8x4096xf32, #tpu.memory_space<vmem>> -> memref<8x4096xf32, #tpu.memory_space<vmem>>
    tpu.wait_dma2 semaphore(%arg13 : memref<!tpu.dma_semaphore, #tpu.memory_space<semaphore_mem>>) src(%dma_wait3A_801 : memref<8x4096xf32, #tpu.memory_space<vmem>>) dst(%dma_wait3A_797 : memref<8x4096xf32, #tpu.memory_space<hbm>>)
    %add3A_802 = arith.constant 65536 : i32
    %add3A_803 = arith.addi %mul3A_22, %add3A_802 : i32
    %dma_start3A_804 = arith.constant 1 : i32
    %dma_start3A_805 = arith.constant 0 : i32
    %dma_start3A_806 = arith.constant 0 : i32
    %dma_start3A_807 = tpu.memref_slice %arg8[%dma_start3A_804, %dma_start3A_805, %dma_start3A_806] : memref<3x8x4096xf32, #tpu.memory_space<vmem>> -> memref<1x8x4096xf32, #tpu.memory_space<vmem>>
    %dma_start3A_808 = tpu.memref_squeeze %dma_start3A_807 : memref<1x8x4096xf32, #tpu.memory_space<vmem>> -> memref<8x4096xf32, #tpu.memory_space<vmem>>
    %dma_start3A_809 = tpu.memref_slice %arg2[%multiple_of3A, %add3A_803] : memref<128x151296xf32, #tpu.memory_space<hbm>> -> memref<8x4096xf32, #tpu.memory_space<hbm>>
    %dma_start3A_810 = arith.constant 0 : i32
    %dma_start3A_811 = arith.constant 0 : i32
    %dma_start3A_812 = tpu.memref_slice %arg8[%dma_start3A_804, %dma_start3A_810, %dma_start3A_811] : memref<3x8x4096xf32, #tpu.memory_space<vmem>> -> memref<1x8x4096xf32, #tpu.memory_space<vmem>>
    %dma_start3A_813 = tpu.memref_squeeze %dma_start3A_812 : memref<1x8x4096xf32, #tpu.memory_space<vmem>> -> memref<8x4096xf32, #tpu.memory_space<vmem>>
    %dma_start3A_814 = tpu.memref_slice %arg2[%multiple_of3A, %add3A_803] : memref<128x151296xf32, #tpu.memory_space<hbm>> -> memref<8x4096xf32, #tpu.memory_space<hbm>>
    tpu.enqueue_dma source(%dma_start3A_814 : memref<8x4096xf32, #tpu.memory_space<hbm>>) target(%dma_start3A_813 : memref<8x4096xf32, #tpu.memory_space<vmem>>) target_semaphore(%arg10 : memref<!tpu.dma_semaphore, #tpu.memory_space<semaphore_mem>>)
    %dma_wait3A_815 = arith.constant 2 : i32
    %dma_wait3A_816 = arith.constant 0 : i32
    %dma_wait3A_817 = arith.constant 0 : i32
    %dma_wait3A_818 = tpu.memref_slice %arg8[%dma_wait3A_815, %dma_wait3A_816, %dma_wait3A_817] : memref<3x8x4096xf32, #tpu.memory_space<vmem>> -> memref<1x8x4096xf32, #tpu.memory_space<vmem>>
    %dma_wait3A_819 = tpu.memref_squeeze %dma_wait3A_818 : memref<1x8x4096xf32, #tpu.memory_space<vmem>> -> memref<8x4096xf32, #tpu.memory_space<vmem>>
    %dma_wait3A_820 = tpu.memref_slice %arg2[%multiple_of3A, %add3A_703] : memref<128x151296xf32, #tpu.memory_space<hbm>> -> memref<8x4096xf32, #tpu.memory_space<hbm>>
    %dma_wait3A_821 = arith.constant 0 : i32
    %dma_wait3A_822 = arith.constant 0 : i32
    %dma_wait3A_823 = tpu.memref_slice %arg8[%dma_wait3A_815, %dma_wait3A_821, %dma_wait3A_822] : memref<3x8x4096xf32, #tpu.memory_space<vmem>> -> memref<1x8x4096xf32, #tpu.memory_space<vmem>>
    %dma_wait3A_824 = tpu.memref_squeeze %dma_wait3A_823 : memref<1x8x4096xf32, #tpu.memory_space<vmem>> -> memref<8x4096xf32, #tpu.memory_space<vmem>>
    %dma_wait3A_825 = tpu.memref_slice %arg2[%multiple_of3A, %add3A_703] : memref<128x151296xf32, #tpu.memory_space<hbm>> -> memref<8x4096xf32, #tpu.memory_space<hbm>>
    tpu.wait_dma2 semaphore(%arg11 : memref<!tpu.dma_semaphore, #tpu.memory_space<semaphore_mem>>) src(%dma_wait3A_825 : memref<8x4096xf32, #tpu.memory_space<hbm>>) dst(%dma_wait3A_824 : memref<8x4096xf32, #tpu.memory_space<vmem>>)
    %add3A_826 = arith.constant 15360 : i32
    %add3A_827 = arith.addi %add3A_826, %mul3A_22 : i32
    %add3A_828 = arith.constant 57344 : i32
    %add3A_829 = arith.addi %add3A_827, %add3A_828 : i32
    %dma_start3A_830 = arith.constant 2 : i32
    %dma_start3A_831 = arith.constant 0 : i32
    %dma_start3A_832 = arith.constant 0 : i32
    %dma_start3A_833 = tpu.memref_slice %arg8[%dma_start3A_830, %dma_start3A_831, %dma_start3A_832] : memref<3x8x4096xf32, #tpu.memory_space<vmem>> -> memref<1x8x4096xf32, #tpu.memory_space<vmem>>
    %dma_start3A_834 = tpu.memref_squeeze %dma_start3A_833 : memref<1x8x4096xf32, #tpu.memory_space<vmem>> -> memref<8x4096xf32, #tpu.memory_space<vmem>>
    %dma_start3A_835 = tpu.memref_slice %arg5[%multiple_of3A, %add3A_829] : memref<128x166656xf32, #tpu.memory_space<hbm>> -> memref<8x4096xf32, #tpu.memory_space<hbm>>
    %dma_start3A_836 = tpu.memref_slice %arg5[%multiple_of3A, %add3A_829] : memref<128x166656xf32, #tpu.memory_space<hbm>> -> memref<8x4096xf32, #tpu.memory_space<hbm>>
    %dma_start3A_837 = arith.constant 0 : i32
    %dma_start3A_838 = arith.constant 0 : i32
    %dma_start3A_839 = tpu.memref_slice %arg8[%dma_start3A_830, %dma_start3A_837, %dma_start3A_838] : memref<3x8x4096xf32, #tpu.memory_space<vmem>> -> memref<1x8x4096xf32, #tpu.memory_space<vmem>>
    %dma_start3A_840 = tpu.memref_squeeze %dma_start3A_839 : memref<1x8x4096xf32, #tpu.memory_space<vmem>> -> memref<8x4096xf32, #tpu.memory_space<vmem>>
    tpu.enqueue_dma source(%dma_start3A_840 : memref<8x4096xf32, #tpu.memory_space<vmem>>) target(%dma_start3A_836 : memref<8x4096xf32, #tpu.memory_space<hbm>>) target_semaphore(%arg14 : memref<!tpu.dma_semaphore, #tpu.memory_space<semaphore_mem>>)
    %dma_wait3A_841 = arith.constant 2 : i32
    %dma_wait3A_842 = arith.constant 0 : i32
    %dma_wait3A_843 = arith.constant 0 : i32
    %dma_wait3A_844 = tpu.memref_slice %arg8[%dma_wait3A_841, %dma_wait3A_842, %dma_wait3A_843] : memref<3x8x4096xf32, #tpu.memory_space<vmem>> -> memref<1x8x4096xf32, #tpu.memory_space<vmem>>
    %dma_wait3A_845 = tpu.memref_squeeze %dma_wait3A_844 : memref<1x8x4096xf32, #tpu.memory_space<vmem>> -> memref<8x4096xf32, #tpu.memory_space<vmem>>
    %dma_wait3A_846 = tpu.memref_slice %arg5[%multiple_of3A, %add3A_829] : memref<128x166656xf32, #tpu.memory_space<hbm>> -> memref<8x4096xf32, #tpu.memory_space<hbm>>
    %dma_wait3A_847 = tpu.memref_slice %arg5[%multiple_of3A, %add3A_829] : memref<128x166656xf32, #tpu.memory_space<hbm>> -> memref<8x4096xf32, #tpu.memory_space<hbm>>
    %dma_wait3A_848 = arith.constant 0 : i32
    %dma_wait3A_849 = arith.constant 0 : i32
    %dma_wait3A_850 = tpu.memref_slice %arg8[%dma_wait3A_841, %dma_wait3A_848, %dma_wait3A_849] : memref<3x8x4096xf32, #tpu.memory_space<vmem>> -> memref<1x8x4096xf32, #tpu.memory_space<vmem>>
    %dma_wait3A_851 = tpu.memref_squeeze %dma_wait3A_850 : memref<1x8x4096xf32, #tpu.memory_space<vmem>> -> memref<8x4096xf32, #tpu.memory_space<vmem>>
    tpu.wait_dma2 semaphore(%arg14 : memref<!tpu.dma_semaphore, #tpu.memory_space<semaphore_mem>>) src(%dma_wait3A_851 : memref<8x4096xf32, #tpu.memory_space<vmem>>) dst(%dma_wait3A_847 : memref<8x4096xf32, #tpu.memory_space<hbm>>)
    %add3A_852 = arith.constant 69632 : i32
    %add3A_853 = arith.addi %mul3A_22, %add3A_852 : i32
    %dma_start3A_854 = arith.constant 2 : i32
    %dma_start3A_855 = arith.constant 0 : i32
    %dma_start3A_856 = arith.constant 0 : i32
    %dma_start3A_857 = tpu.memref_slice %arg8[%dma_start3A_854, %dma_start3A_855, %dma_start3A_856] : memref<3x8x4096xf32, #tpu.memory_space<vmem>> -> memref<1x8x4096xf32, #tpu.memory_space<vmem>>
    %dma_start3A_858 = tpu.memref_squeeze %dma_start3A_857 : memref<1x8x4096xf32, #tpu.memory_space<vmem>> -> memref<8x4096xf32, #tpu.memory_space<vmem>>
    %dma_start3A_859 = tpu.memref_slice %arg2[%multiple_of3A, %add3A_853] : memref<128x151296xf32, #tpu.memory_space<hbm>> -> memref<8x4096xf32, #tpu.memory_space<hbm>>
    %dma_start3A_860 = arith.constant 0 : i32
    %dma_start3A_861 = arith.constant 0 : i32
    %dma_start3A_862 = tpu.memref_slice %arg8[%dma_start3A_854, %dma_start3A_860, %dma_start3A_861] : memref<3x8x4096xf32, #tpu.memory_space<vmem>> -> memref<1x8x4096xf32, #tpu.memory_space<vmem>>
    %dma_start3A_863 = tpu.memref_squeeze %dma_start3A_862 : memref<1x8x4096xf32, #tpu.memory_space<vmem>> -> memref<8x4096xf32, #tpu.memory_space<vmem>>
    %dma_start3A_864 = tpu.memref_slice %arg2[%multiple_of3A, %add3A_853] : memref<128x151296xf32, #tpu.memory_space<hbm>> -> memref<8x4096xf32, #tpu.memory_space<hbm>>
    tpu.enqueue_dma source(%dma_start3A_864 : memref<8x4096xf32, #tpu.memory_space<hbm>>) target(%dma_start3A_863 : memref<8x4096xf32, #tpu.memory_space<vmem>>) target_semaphore(%arg11 : memref<!tpu.dma_semaphore, #tpu.memory_space<semaphore_mem>>)
    %dma_wait3A_865 = arith.constant 0 : i32
    %dma_wait3A_866 = arith.constant 0 : i32
    %dma_wait3A_867 = arith.constant 0 : i32
    %dma_wait3A_868 = tpu.memref_slice %arg8[%dma_wait3A_865, %dma_wait3A_866, %dma_wait3A_867] : memref<3x8x4096xf32, #tpu.memory_space<vmem>> -> memref<1x8x4096xf32, #tpu.memory_space<vmem>>
    %dma_wait3A_869 = tpu.memref_squeeze %dma_wait3A_868 : memref<1x8x4096xf32, #tpu.memory_space<vmem>> -> memref<8x4096xf32, #tpu.memory_space<vmem>>
    %dma_wait3A_870 = tpu.memref_slice %arg2[%multiple_of3A, %add3A_753] : memref<128x151296xf32, #tpu.memory_space<hbm>> -> memref<8x4096xf32, #tpu.memory_space<hbm>>
    %dma_wait3A_871 = arith.constant 0 : i32
    %dma_wait3A_872 = arith.constant 0 : i32
    %dma_wait3A_873 = tpu.memref_slice %arg8[%dma_wait3A_865, %dma_wait3A_871, %dma_wait3A_872] : memref<3x8x4096xf32, #tpu.memory_space<vmem>> -> memref<1x8x4096xf32, #tpu.memory_space<vmem>>
    %dma_wait3A_874 = tpu.memref_squeeze %dma_wait3A_873 : memref<1x8x4096xf32, #tpu.memory_space<vmem>> -> memref<8x4096xf32, #tpu.memory_space<vmem>>
    %dma_wait3A_875 = tpu.memref_slice %arg2[%multiple_of3A, %add3A_753] : memref<128x151296xf32, #tpu.memory_space<hbm>> -> memref<8x4096xf32, #tpu.memory_space<hbm>>
    tpu.wait_dma2 semaphore(%arg9 : memref<!tpu.dma_semaphore, #tpu.memory_space<semaphore_mem>>) src(%dma_wait3A_875 : memref<8x4096xf32, #tpu.memory_space<hbm>>) dst(%dma_wait3A_874 : memref<8x4096xf32, #tpu.memory_space<vmem>>)
    %add3A_876 = arith.constant 15360 : i32
    %add3A_877 = arith.addi %add3A_876, %mul3A_22 : i32
    %add3A_878 = arith.constant 61440 : i32
    %add3A_879 = arith.addi %add3A_877, %add3A_878 : i32
    %dma_start3A_880 = arith.constant 0 : i32
    %dma_start3A_881 = arith.constant 0 : i32
    %dma_start3A_882 = arith.constant 0 : i32
    %dma_start3A_883 = tpu.memref_slice %arg8[%dma_start3A_880, %dma_start3A_881, %dma_start3A_882] : memref<3x8x4096xf32, #tpu.memory_space<vmem>> -> memref<1x8x4096xf32, #tpu.memory_space<vmem>>
    %dma_start3A_884 = tpu.memref_squeeze %dma_start3A_883 : memref<1x8x4096xf32, #tpu.memory_space<vmem>> -> memref<8x4096xf32, #tpu.memory_space<vmem>>
    %dma_start3A_885 = tpu.memref_slice %arg5[%multiple_of3A, %add3A_879] : memref<128x166656xf32, #tpu.memory_space<hbm>> -> memref<8x4096xf32, #tpu.memory_space<hbm>>
    %dma_start3A_886 = tpu.memref_slice %arg5[%multiple_of3A, %add3A_879] : memref<128x166656xf32, #tpu.memory_space<hbm>> -> memref<8x4096xf32, #tpu.memory_space<hbm>>
    %dma_start3A_887 = arith.constant 0 : i32
    %dma_start3A_888 = arith.constant 0 : i32
    %dma_start3A_889 = tpu.memref_slice %arg8[%dma_start3A_880, %dma_start3A_887, %dma_start3A_888] : memref<3x8x4096xf32, #tpu.memory_space<vmem>> -> memref<1x8x4096xf32, #tpu.memory_space<vmem>>
    %dma_start3A_890 = tpu.memref_squeeze %dma_start3A_889 : memref<1x8x4096xf32, #tpu.memory_space<vmem>> -> memref<8x4096xf32, #tpu.memory_space<vmem>>
    tpu.enqueue_dma source(%dma_start3A_890 : memref<8x4096xf32, #tpu.memory_space<vmem>>) target(%dma_start3A_886 : memref<8x4096xf32, #tpu.memory_space<hbm>>) target_semaphore(%arg12 : memref<!tpu.dma_semaphore, #tpu.memory_space<semaphore_mem>>)
    %dma_wait3A_891 = arith.constant 0 : i32
    %dma_wait3A_892 = arith.constant 0 : i32
    %dma_wait3A_893 = arith.constant 0 : i32
    %dma_wait3A_894 = tpu.memref_slice %arg8[%dma_wait3A_891, %dma_wait3A_892, %dma_wait3A_893] : memref<3x8x4096xf32, #tpu.memory_space<vmem>> -> memref<1x8x4096xf32, #tpu.memory_space<vmem>>
    %dma_wait3A_895 = tpu.memref_squeeze %dma_wait3A_894 : memref<1x8x4096xf32, #tpu.memory_space<vmem>> -> memref<8x4096xf32, #tpu.memory_space<vmem>>
    %dma_wait3A_896 = tpu.memref_slice %arg5[%multiple_of3A, %add3A_879] : memref<128x166656xf32, #tpu.memory_space<hbm>> -> memref<8x4096xf32, #tpu.memory_space<hbm>>
    %dma_wait3A_897 = tpu.memref_slice %arg5[%multiple_of3A, %add3A_879] : memref<128x166656xf32, #tpu.memory_space<hbm>> -> memref<8x4096xf32, #tpu.memory_space<hbm>>
    %dma_wait3A_898 = arith.constant 0 : i32
    %dma_wait3A_899 = arith.constant 0 : i32
    %dma_wait3A_900 = tpu.memref_slice %arg8[%dma_wait3A_891, %dma_wait3A_898, %dma_wait3A_899] : memref<3x8x4096xf32, #tpu.memory_space<vmem>> -> memref<1x8x4096xf32, #tpu.memory_space<vmem>>
    %dma_wait3A_901 = tpu.memref_squeeze %dma_wait3A_900 : memref<1x8x4096xf32, #tpu.memory_space<vmem>> -> memref<8x4096xf32, #tpu.memory_space<vmem>>
    tpu.wait_dma2 semaphore(%arg12 : memref<!tpu.dma_semaphore, #tpu.memory_space<semaphore_mem>>) src(%dma_wait3A_901 : memref<8x4096xf32, #tpu.memory_space<vmem>>) dst(%dma_wait3A_897 : memref<8x4096xf32, #tpu.memory_space<hbm>>)
    %add3A_902 = arith.constant 73728 : i32
    %add3A_903 = arith.addi %mul3A_22, %add3A_902 : i32
    %dma_start3A_904 = arith.constant 0 : i32
    %dma_start3A_905 = arith.constant 0 : i32
    %dma_start3A_906 = arith.constant 0 : i32
    %dma_start3A_907 = tpu.memref_slice %arg8[%dma_start3A_904, %dma_start3A_905, %dma_start3A_906] : memref<3x8x4096xf32, #tpu.memory_space<vmem>> -> memref<1x8x1920xf32, #tpu.memory_space<vmem>>
    %dma_start3A_908 = tpu.memref_squeeze %dma_start3A_907 : memref<1x8x1920xf32, #tpu.memory_space<vmem>> -> memref<8x1920xf32, #tpu.memory_space<vmem>>
    %dma_start3A_909 = tpu.memref_slice %arg2[%multiple_of3A, %add3A_903] : memref<128x151296xf32, #tpu.memory_space<hbm>> -> memref<8x1920xf32, #tpu.memory_space<hbm>>
    %dma_start3A_910 = arith.constant 0 : i32
    %dma_start3A_911 = arith.constant 0 : i32
    %dma_start3A_912 = tpu.memref_slice %arg8[%dma_start3A_904, %dma_start3A_910, %dma_start3A_911] : memref<3x8x4096xf32, #tpu.memory_space<vmem>> -> memref<1x8x1920xf32, #tpu.memory_space<vmem>>
    %dma_start3A_913 = tpu.memref_squeeze %dma_start3A_912 : memref<1x8x1920xf32, #tpu.memory_space<vmem>> -> memref<8x1920xf32, #tpu.memory_space<vmem>>
    %dma_start3A_914 = tpu.memref_slice %arg2[%multiple_of3A, %add3A_903] : memref<128x151296xf32, #tpu.memory_space<hbm>> -> memref<8x1920xf32, #tpu.memory_space<hbm>>
    tpu.enqueue_dma source(%dma_start3A_914 : memref<8x1920xf32, #tpu.memory_space<hbm>>) target(%dma_start3A_913 : memref<8x1920xf32, #tpu.memory_space<vmem>>) target_semaphore(%arg9 : memref<!tpu.dma_semaphore, #tpu.memory_space<semaphore_mem>>)
    %dma_wait3A_915 = arith.constant 1 : i32
    %dma_wait3A_916 = arith.constant 0 : i32
    %dma_wait3A_917 = arith.constant 0 : i32
    %dma_wait3A_918 = tpu.memref_slice %arg8[%dma_wait3A_915, %dma_wait3A_916, %dma_wait3A_917] : memref<3x8x4096xf32, #tpu.memory_space<vmem>> -> memref<1x8x4096xf32, #tpu.memory_space<vmem>>
    %dma_wait3A_919 = tpu.memref_squeeze %dma_wait3A_918 : memref<1x8x4096xf32, #tpu.memory_space<vmem>> -> memref<8x4096xf32, #tpu.memory_space<vmem>>
    %dma_wait3A_920 = tpu.memref_slice %arg2[%multiple_of3A, %add3A_803] : memref<128x151296xf32, #tpu.memory_space<hbm>> -> memref<8x4096xf32, #tpu.memory_space<hbm>>
    %dma_wait3A_921 = arith.constant 0 : i32
    %dma_wait3A_922 = arith.constant 0 : i32
    %dma_wait3A_923 = tpu.memref_slice %arg8[%dma_wait3A_915, %dma_wait3A_921, %dma_wait3A_922] : memref<3x8x4096xf32, #tpu.memory_space<vmem>> -> memref<1x8x4096xf32, #tpu.memory_space<vmem>>
    %dma_wait3A_924 = tpu.memref_squeeze %dma_wait3A_923 : memref<1x8x4096xf32, #tpu.memory_space<vmem>> -> memref<8x4096xf32, #tpu.memory_space<vmem>>
    %dma_wait3A_925 = tpu.memref_slice %arg2[%multiple_of3A, %add3A_803] : memref<128x151296xf32, #tpu.memory_space<hbm>> -> memref<8x4096xf32, #tpu.memory_space<hbm>>
    tpu.wait_dma2 semaphore(%arg10 : memref<!tpu.dma_semaphore, #tpu.memory_space<semaphore_mem>>) src(%dma_wait3A_925 : memref<8x4096xf32, #tpu.memory_space<hbm>>) dst(%dma_wait3A_924 : memref<8x4096xf32, #tpu.memory_space<vmem>>)
    %add3A_926 = arith.constant 15360 : i32
    %add3A_927 = arith.addi %add3A_926, %mul3A_22 : i32
    %add3A_928 = arith.constant 65536 : i32
    %add3A_929 = arith.addi %add3A_927, %add3A_928 : i32
    %dma_start3A_930 = arith.constant 1 : i32
    %dma_start3A_931 = arith.constant 0 : i32
    %dma_start3A_932 = arith.constant 0 : i32
    %dma_start3A_933 = tpu.memref_slice %arg8[%dma_start3A_930, %dma_start3A_931, %dma_start3A_932] : memref<3x8x4096xf32, #tpu.memory_space<vmem>> -> memref<1x8x4096xf32, #tpu.memory_space<vmem>>
    %dma_start3A_934 = tpu.memref_squeeze %dma_start3A_933 : memref<1x8x4096xf32, #tpu.memory_space<vmem>> -> memref<8x4096xf32, #tpu.memory_space<vmem>>
    %dma_start3A_935 = tpu.memref_slice %arg5[%multiple_of3A, %add3A_929] : memref<128x166656xf32, #tpu.memory_space<hbm>> -> memref<8x4096xf32, #tpu.memory_space<hbm>>
    %dma_start3A_936 = tpu.memref_slice %arg5[%multiple_of3A, %add3A_929] : memref<128x166656xf32, #tpu.memory_space<hbm>> -> memref<8x4096xf32, #tpu.memory_space<hbm>>
    %dma_start3A_937 = arith.constant 0 : i32
    %dma_start3A_938 = arith.constant 0 : i32
    %dma_start3A_939 = tpu.memref_slice %arg8[%dma_start3A_930, %dma_start3A_937, %dma_start3A_938] : memref<3x8x4096xf32, #tpu.memory_space<vmem>> -> memref<1x8x4096xf32, #tpu.memory_space<vmem>>
    %dma_start3A_940 = tpu.memref_squeeze %dma_start3A_939 : memref<1x8x4096xf32, #tpu.memory_space<vmem>> -> memref<8x4096xf32, #tpu.memory_space<vmem>>
    tpu.enqueue_dma source(%dma_start3A_940 : memref<8x4096xf32, #tpu.memory_space<vmem>>) target(%dma_start3A_936 : memref<8x4096xf32, #tpu.memory_space<hbm>>) target_semaphore(%arg13 : memref<!tpu.dma_semaphore, #tpu.memory_space<semaphore_mem>>)
    %dma_wait3A_941 = arith.constant 2 : i32
    %dma_wait3A_942 = arith.constant 0 : i32
    %dma_wait3A_943 = arith.constant 0 : i32
    %dma_wait3A_944 = tpu.memref_slice %arg8[%dma_wait3A_941, %dma_wait3A_942, %dma_wait3A_943] : memref<3x8x4096xf32, #tpu.memory_space<vmem>> -> memref<1x8x4096xf32, #tpu.memory_space<vmem>>
    %dma_wait3A_945 = tpu.memref_squeeze %dma_wait3A_944 : memref<1x8x4096xf32, #tpu.memory_space<vmem>> -> memref<8x4096xf32, #tpu.memory_space<vmem>>
    %dma_wait3A_946 = tpu.memref_slice %arg2[%multiple_of3A, %add3A_853] : memref<128x151296xf32, #tpu.memory_space<hbm>> -> memref<8x4096xf32, #tpu.memory_space<hbm>>
    %dma_wait3A_947 = arith.constant 0 : i32
    %dma_wait3A_948 = arith.constant 0 : i32
    %dma_wait3A_949 = tpu.memref_slice %arg8[%dma_wait3A_941, %dma_wait3A_947, %dma_wait3A_948] : memref<3x8x4096xf32, #tpu.memory_space<vmem>> -> memref<1x8x4096xf32, #tpu.memory_space<vmem>>
    %dma_wait3A_950 = tpu.memref_squeeze %dma_wait3A_949 : memref<1x8x4096xf32, #tpu.memory_space<vmem>> -> memref<8x4096xf32, #tpu.memory_space<vmem>>
    %dma_wait3A_951 = tpu.memref_slice %arg2[%multiple_of3A, %add3A_853] : memref<128x151296xf32, #tpu.memory_space<hbm>> -> memref<8x4096xf32, #tpu.memory_space<hbm>>
    tpu.wait_dma2 semaphore(%arg11 : memref<!tpu.dma_semaphore, #tpu.memory_space<semaphore_mem>>) src(%dma_wait3A_951 : memref<8x4096xf32, #tpu.memory_space<hbm>>) dst(%dma_wait3A_950 : memref<8x4096xf32, #tpu.memory_space<vmem>>)
    %add3A_952 = arith.constant 15360 : i32
    %add3A_953 = arith.addi %add3A_952, %mul3A_22 : i32
    %add3A_954 = arith.constant 69632 : i32
    %add3A_955 = arith.addi %add3A_953, %add3A_954 : i32
    %dma_start3A_956 = arith.constant 2 : i32
    %dma_start3A_957 = arith.constant 0 : i32
    %dma_start3A_958 = arith.constant 0 : i32
    %dma_start3A_959 = tpu.memref_slice %arg8[%dma_start3A_956, %dma_start3A_957, %dma_start3A_958] : memref<3x8x4096xf32, #tpu.memory_space<vmem>> -> memref<1x8x4096xf32, #tpu.memory_space<vmem>>
    %dma_start3A_960 = tpu.memref_squeeze %dma_start3A_959 : memref<1x8x4096xf32, #tpu.memory_space<vmem>> -> memref<8x4096xf32, #tpu.memory_space<vmem>>
    %dma_start3A_961 = tpu.memref_slice %arg5[%multiple_of3A, %add3A_955] : memref<128x166656xf32, #tpu.memory_space<hbm>> -> memref<8x4096xf32, #tpu.memory_space<hbm>>
    %dma_start3A_962 = tpu.memref_slice %arg5[%multiple_of3A, %add3A_955] : memref<128x166656xf32, #tpu.memory_space<hbm>> -> memref<8x4096xf32, #tpu.memory_space<hbm>>
    %dma_start3A_963 = arith.constant 0 : i32
    %dma_start3A_964 = arith.constant 0 : i32
    %dma_start3A_965 = tpu.memref_slice %arg8[%dma_start3A_956, %dma_start3A_963, %dma_start3A_964] : memref<3x8x4096xf32, #tpu.memory_space<vmem>> -> memref<1x8x4096xf32, #tpu.memory_space<vmem>>
    %dma_start3A_966 = tpu.memref_squeeze %dma_start3A_965 : memref<1x8x4096xf32, #tpu.memory_space<vmem>> -> memref<8x4096xf32, #tpu.memory_space<vmem>>
    tpu.enqueue_dma source(%dma_start3A_966 : memref<8x4096xf32, #tpu.memory_space<vmem>>) target(%dma_start3A_962 : memref<8x4096xf32, #tpu.memory_space<hbm>>) target_semaphore(%arg14 : memref<!tpu.dma_semaphore, #tpu.memory_space<semaphore_mem>>)
    %dma_wait3A_967 = arith.constant 0 : i32
    %dma_wait3A_968 = arith.constant 0 : i32
    %dma_wait3A_969 = arith.constant 0 : i32
    %dma_wait3A_970 = tpu.memref_slice %arg8[%dma_wait3A_967, %dma_wait3A_968, %dma_wait3A_969] : memref<3x8x4096xf32, #tpu.memory_space<vmem>> -> memref<1x8x1920xf32, #tpu.memory_space<vmem>>
    %dma_wait3A_971 = tpu.memref_squeeze %dma_wait3A_970 : memref<1x8x1920xf32, #tpu.memory_space<vmem>> -> memref<8x1920xf32, #tpu.memory_space<vmem>>
    %dma_wait3A_972 = tpu.memref_slice %arg2[%multiple_of3A, %add3A_903] : memref<128x151296xf32, #tpu.memory_space<hbm>> -> memref<8x1920xf32, #tpu.memory_space<hbm>>
    %dma_wait3A_973 = arith.constant 0 : i32
    %dma_wait3A_974 = arith.constant 0 : i32
    %dma_wait3A_975 = tpu.memref_slice %arg8[%dma_wait3A_967, %dma_wait3A_973, %dma_wait3A_974] : memref<3x8x4096xf32, #tpu.memory_space<vmem>> -> memref<1x8x1920xf32, #tpu.memory_space<vmem>>
    %dma_wait3A_976 = tpu.memref_squeeze %dma_wait3A_975 : memref<1x8x1920xf32, #tpu.memory_space<vmem>> -> memref<8x1920xf32, #tpu.memory_space<vmem>>
    %dma_wait3A_977 = tpu.memref_slice %arg2[%multiple_of3A, %add3A_903] : memref<128x151296xf32, #tpu.memory_space<hbm>> -> memref<8x1920xf32, #tpu.memory_space<hbm>>
    tpu.wait_dma2 semaphore(%arg9 : memref<!tpu.dma_semaphore, #tpu.memory_space<semaphore_mem>>) src(%dma_wait3A_977 : memref<8x1920xf32, #tpu.memory_space<hbm>>) dst(%dma_wait3A_976 : memref<8x1920xf32, #tpu.memory_space<vmem>>)
    %add3A_978 = arith.constant 15360 : i32
    %add3A_979 = arith.addi %add3A_978, %mul3A_22 : i32
    %add3A_980 = arith.constant 73728 : i32
    %add3A_981 = arith.addi %add3A_979, %add3A_980 : i32
    %dma_start3A_982 = arith.constant 0 : i32
    %dma_start3A_983 = arith.constant 0 : i32
    %dma_start3A_984 = arith.constant 0 : i32
    %dma_start3A_985 = tpu.memref_slice %arg8[%dma_start3A_982, %dma_start3A_983, %dma_start3A_984] : memref<3x8x4096xf32, #tpu.memory_space<vmem>> -> memref<1x8x1920xf32, #tpu.memory_space<vmem>>
    %dma_start3A_986 = tpu.memref_squeeze %dma_start3A_985 : memref<1x8x1920xf32, #tpu.memory_space<vmem>> -> memref<8x1920xf32, #tpu.memory_space<vmem>>
    %dma_start3A_987 = tpu.memref_slice %arg5[%multiple_of3A, %add3A_981] : memref<128x166656xf32, #tpu.memory_space<hbm>> -> memref<8x1920xf32, #tpu.memory_space<hbm>>
    %dma_start3A_988 = tpu.memref_slice %arg5[%multiple_of3A, %add3A_981] : memref<128x166656xf32, #tpu.memory_space<hbm>> -> memref<8x1920xf32, #tpu.memory_space<hbm>>
    %dma_start3A_989 = arith.constant 0 : i32
    %dma_start3A_990 = arith.constant 0 : i32
    %dma_start3A_991 = tpu.memref_slice %arg8[%dma_start3A_982, %dma_start3A_989, %dma_start3A_990] : memref<3x8x4096xf32, #tpu.memory_space<vmem>> -> memref<1x8x1920xf32, #tpu.memory_space<vmem>>
    %dma_start3A_992 = tpu.memref_squeeze %dma_start3A_991 : memref<1x8x1920xf32, #tpu.memory_space<vmem>> -> memref<8x1920xf32, #tpu.memory_space<vmem>>
    tpu.enqueue_dma source(%dma_start3A_992 : memref<8x1920xf32, #tpu.memory_space<vmem>>) target(%dma_start3A_988 : memref<8x1920xf32, #tpu.memory_space<hbm>>) target_semaphore(%arg12 : memref<!tpu.dma_semaphore, #tpu.memory_space<semaphore_mem>>)
    %dma_wait3A_993 = arith.constant 1 : i32
    %dma_wait3A_994 = arith.constant 0 : i32
    %dma_wait3A_995 = arith.constant 0 : i32
    %dma_wait3A_996 = tpu.memref_slice %arg8[%dma_wait3A_993, %dma_wait3A_994, %dma_wait3A_995] : memref<3x8x4096xf32, #tpu.memory_space<vmem>> -> memref<1x8x4096xf32, #tpu.memory_space<vmem>>
    %dma_wait3A_997 = tpu.memref_squeeze %dma_wait3A_996 : memref<1x8x4096xf32, #tpu.memory_space<vmem>> -> memref<8x4096xf32, #tpu.memory_space<vmem>>
    %dma_wait3A_998 = tpu.memref_slice %arg5[%multiple_of3A, %add3A_929] : memref<128x166656xf32, #tpu.memory_space<hbm>> -> memref<8x4096xf32, #tpu.memory_space<hbm>>
    %dma_wait3A_999 = tpu.memref_slice %arg5[%multiple_of3A, %add3A_929] : memref<128x166656xf32, #tpu.memory_space<hbm>> -> memref<8x4096xf32, #tpu.memory_space<hbm>>
    %dma_wait3A_1000 = arith.constant 0 : i32
    %dma_wait3A_1001 = arith.constant 0 : i32
    %dma_wait3A_1002 = tpu.memref_slice %arg8[%dma_wait3A_993, %dma_wait3A_1000, %dma_wait3A_1001] : memref<3x8x4096xf32, #tpu.memory_space<vmem>> -> memref<1x8x4096xf32, #tpu.memory_space<vmem>>
    %dma_wait3A_1003 = tpu.memref_squeeze %dma_wait3A_1002 : memref<1x8x4096xf32, #tpu.memory_space<vmem>> -> memref<8x4096xf32, #tpu.memory_space<vmem>>
    tpu.wait_dma2 semaphore(%arg13 : memref<!tpu.dma_semaphore, #tpu.memory_space<semaphore_mem>>) src(%dma_wait3A_1003 : memref<8x4096xf32, #tpu.memory_space<vmem>>) dst(%dma_wait3A_999 : memref<8x4096xf32, #tpu.memory_space<hbm>>)
    %dma_wait3A_1004 = arith.constant 2 : i32
    %dma_wait3A_1005 = arith.constant 0 : i32
    %dma_wait3A_1006 = arith.constant 0 : i32
    %dma_wait3A_1007 = tpu.memref_slice %arg8[%dma_wait3A_1004, %dma_wait3A_1005, %dma_wait3A_1006] : memref<3x8x4096xf32, #tpu.memory_space<vmem>> -> memref<1x8x4096xf32, #tpu.memory_space<vmem>>
    %dma_wait3A_1008 = tpu.memref_squeeze %dma_wait3A_1007 : memref<1x8x4096xf32, #tpu.memory_space<vmem>> -> memref<8x4096xf32, #tpu.memory_space<vmem>>
    %dma_wait3A_1009 = tpu.memref_slice %arg5[%multiple_of3A, %add3A_955] : memref<128x166656xf32, #tpu.memory_space<hbm>> -> memref<8x4096xf32, #tpu.memory_space<hbm>>
    %dma_wait3A_1010 = tpu.memref_slice %arg5[%multiple_of3A, %add3A_955] : memref<128x166656xf32, #tpu.memory_space<hbm>> -> memref<8x4096xf32, #tpu.memory_space<hbm>>
    %dma_wait3A_1011 = arith.constant 0 : i32
    %dma_wait3A_1012 = arith.constant 0 : i32
    %dma_wait3A_1013 = tpu.memref_slice %arg8[%dma_wait3A_1004, %dma_wait3A_1011, %dma_wait3A_1012] : memref<3x8x4096xf32, #tpu.memory_space<vmem>> -> memref<1x8x4096xf32, #tpu.memory_space<vmem>>
    %dma_wait3A_1014 = tpu.memref_squeeze %dma_wait3A_1013 : memref<1x8x4096xf32, #tpu.memory_space<vmem>> -> memref<8x4096xf32, #tpu.memory_space<vmem>>
    tpu.wait_dma2 semaphore(%arg14 : memref<!tpu.dma_semaphore, #tpu.memory_space<semaphore_mem>>) src(%dma_wait3A_1014 : memref<8x4096xf32, #tpu.memory_space<vmem>>) dst(%dma_wait3A_1010 : memref<8x4096xf32, #tpu.memory_space<hbm>>)
    %dma_wait3A_1015 = arith.constant 0 : i32
    %dma_wait3A_1016 = arith.constant 0 : i32
    %dma_wait3A_1017 = arith.constant 0 : i32
    %dma_wait3A_1018 = tpu.memref_slice %arg8[%dma_wait3A_1015, %dma_wait3A_1016, %dma_wait3A_1017] : memref<3x8x4096xf32, #tpu.memory_space<vmem>> -> memref<1x8x1920xf32, #tpu.memory_space<vmem>>
    %dma_wait3A_1019 = tpu.memref_squeeze %dma_wait3A_1018 : memref<1x8x1920xf32, #tpu.memory_space<vmem>> -> memref<8x1920xf32, #tpu.memory_space<vmem>>
    %dma_wait3A_1020 = tpu.memref_slice %arg5[%multiple_of3A, %add3A_981] : memref<128x166656xf32, #tpu.memory_space<hbm>> -> memref<8x1920xf32, #tpu.memory_space<hbm>>
    %dma_wait3A_1021 = tpu.memref_slice %arg5[%multiple_of3A, %add3A_981] : memref<128x166656xf32, #tpu.memory_space<hbm>> -> memref<8x1920xf32, #tpu.memory_space<hbm>>
    %dma_wait3A_1022 = arith.constant 0 : i32
    %dma_wait3A_1023 = arith.constant 0 : i32
    %dma_wait3A_1024 = tpu.memref_slice %arg8[%dma_wait3A_1015, %dma_wait3A_1022, %dma_wait3A_1023] : memref<3x8x4096xf32, #tpu.memory_space<vmem>> -> memref<1x8x1920xf32, #tpu.memory_space<vmem>>
    %dma_wait3A_1025 = tpu.memref_squeeze %dma_wait3A_1024 : memref<1x8x1920xf32, #tpu.memory_space<vmem>> -> memref<8x1920xf32, #tpu.memory_space<vmem>>
    tpu.wait_dma2 semaphore(%arg12 : memref<!tpu.dma_semaphore, #tpu.memory_space<semaphore_mem>>) src(%dma_wait3A_1025 : memref<8x1920xf32, #tpu.memory_space<vmem>>) dst(%dma_wait3A_1021 : memref<8x1920xf32, #tpu.memory_space<hbm>>)
    return
  }
}

</mosaic_0001>

<sc_bundles>
// kernel: kernel.3.cloned.1.call-start
scs
__scs_entry_jumppad:
0x0: {  	(pc) =	sbr.rel $0x88, $3  }
0x1: {  	(tag) =	ssettag $0x0;
	lr =	simm.s32 $0x1  }
0x2: {  	[smem:$0x3F9E] =	sst lr;
	_ =	strace $0xD0000000  }
0x3: {  	_ = 	snop  }
0x4: {  	_ = 	snop  }
0x5: {  	_ = 	snop  }
0x6: {  	_ = 	snop  }
0x7: {  	_ = 	snop  }
__scs_overlays_trampoline_lowered:
0x8: {  	[smem:$0x3FAD] =	sst s0  }
0x9: {  	[smem:$0x3FAE] =	sst s1  }
0xa: {  	[smem:$0x3FAF] =	sst s2  }
0xb: {  	[smem:$0x3FB0] =	sst s3  }
0xc: {  	[smem:$0x3FB1] =	sst s4  }
0xd: {  	[smem:$0x3FB2] =	sst s5  }
0xe: {  	[smem:$0x3FB3] =	sst s6  }
0xf: {  	[smem:$0x3FB4] =	sst s7  }
0x10: {  	[smem:$0x3FB5] =	sst s8  }
0x11: {  	[smem:$0x3FB6] =	sst s9;
	s0 =	simm.s32 @!p0 $0x0  }
0x12: {  	s1 =	sld [smem:$0x3F9C];
	s0 =	simm.s32 @p0 $0x1  }
0x13: {  	[smem:$0x3FB7] =	sst s0;
	s0 =	simm.s32 @!p1 $0x0  }
0x14: {  	s2 =	sld [smem:$0x3F9B];
	s0 =	simm.s32 @p1 $0x1  }
0x15: {  	[smem:$0x3FB8] =	sst s0;
	s0 =	simm.s32 @!p2 $0x0  }
0x16: {  	s3 =	sld [smem:$0x3FDB];
	s0 =	simm.s32 @p2 $0x1  }
0x17: {  	s4 =	simm.s32 $0x1BF5;
	[smem:$0x3FBA] =	sst s0  }
0x18: {  	s0 =	sld [smem:$0x3F9D];
	_ =	swait.ge [sflag:s4], $0x0  }
0x19: {  	s7 =	sld [smem:$0x3F9E]  }
0x1a: {  	s8 =	sadd.s32 $0xFFFFE003, lr  }
0x1b: {  	s9 =	sadd.s32 $0xFFFFFEF7, lr;
	s5 =	simm.s32 $0xFFFFFFFF;
	p2 =	slt.u32 s8, $0xFFFFF086  }
0x1c: {  	p1 =	slt.u32 s9, $0xF7A;
	s5 =	simm.s32 @!p2 $0x0  }
0x1d: {  	s5 =	simm.s32 @p1 $0x1;
	p0 =	seq.s32 s7, s2  }
0x1e: {  	s7 =	smul.u32 @!p0 $0xF7A, s2;
	p2 =	seq.s32 @!p0 s5, $0x0  }
0x1f: {  	s9 =	smul.u32 $0xF7A, s1;
	s8 =	simm.s32 @!p0 $0x1BF5;
	p2 =	por !p2, p0  }
0x20: {  	[sflag:s8] =	ssyncset.s32 @!p0 $0xFFFFF086;
	s6 =	sadd.s32 @!p0 s3, s7;
	s7 =	simm.s32 @!p0 $0x108  }
0x21: {  	s3 =	sadd.s32 s3, s9;
	s6 =	sadd.s32 @!p0 $0x88, s6;
	s7 =	simm.s32 @p2 $0x1082  }
0x22: {  	[simem:s7], [sflag:s8] =	dma.local @!p0 [hbm:s6], $0xF7A  }
0x23: {  	s9 =	sor.u32 $0xD0000000, s2;
	s6 =	simm.s32 $0x108;
	_ =	swait.ge @!p0 [sflag:s8], $0x0  }
0x24: {  	s3 =	sadd.s32 $0x88, s3;
	s6 =	simm.s32 @!p1 $0x1082;
	[sflag:s4] =	ssyncset.s32 $0xFFFFF086  }
0x25: {  	[simem:s6], [sflag:s4] =	dma.local [hbm:s3], $0xF7A  }
0x26: {  	[smem:$0x3F9E] =	sst s1;
	(tag) =	ssettag s2;
	_ =	strace s9  }
0x27: {  	s1 =	sld [smem:$0x3FAE]  }
0x28: {  	s2 =	sld [smem:$0x3FAF]  }
0x29: {  	s4 =	sld [smem:$0x3FB1]  }
0x2a: {  	p0 =	seq.s32 s5, $0x0;
	s5 =	sld [smem:$0x3FB2]  }
0x2b: {  	s6 =	sld [smem:$0x3FB3]  }
0x2c: {  	s7 =	sld [smem:$0x3FB4]  }
0x2d: {  	s3 =	simm.s32 $0x108;
	s8 =	sld [smem:$0x3FB5]  }
0x2e: {  	s3 =	simm.s32 @!p0 $0x1082;
	s9 =	sld [smem:$0x3FB6]  }
0x2f: {  	lr =	sadd.s32 s0, s3;
	s0 =	sld [smem:$0x3FAD]  }
0x30: {  	s3 =	sld [smem:$0x3FB0]  }
0x31: {  	[smem:$0x3FB9] =	sst s10  }
0x32: {  	s10 =	sld [smem:$0x3FB7];
	_ =	sdelay $0x3  }
0x33: {  	p0 =	seq.s32 s10, $0x1;
	s10 =	sld [smem:$0x3FB9];
	_ =	sdelay $0x3  }
0x34: {  	[smem:$0x3FB9] =	sst s10  }
0x35: {  	s10 =	sld [smem:$0x3FB8];
	_ =	sdelay $0x3  }
0x36: {  	p1 =	seq.s32 s10, $0x1;
	s10 =	sld [smem:$0x3FB9];
	_ =	sdelay $0x3  }
0x37: {  	[smem:$0x3FB9] =	sst s10  }
0x38: {  	s10 =	sld [smem:$0x3FBA]  }
0x39: {  	_ = 	snop;
	(pc) =	sbr.ind lr, $3  }
0x3a: {  	_ = 	snop  }
0x3b: {  	_ = 	snop  }
0x3c: {  	p2 =	seq.s32 s10, $0x1;
	s10 =	sld [smem:$0x3FB9]  }
0x3d: {  	_ =	shalt  }
0x3e: {  	_ =	shalt  }
0x3f: {  	_ =	shalt  }
0x40: {  	_ =	shalt  }
0x41: {  	_ =	shalt  }
0x42: {  	_ =	shalt  }
0x43: {  	_ =	shalt  }
0x44: {  	_ =	shalt  }
0x45: {  	_ =	shalt  }
0x46: {  	_ =	shalt  }
0x47: {  	_ =	shalt  }
0x48: {  	_ =	shalt  }
0x49: {  	_ =	shalt  }
0x4a: {  	_ =	shalt  }
0x4b: {  	_ =	shalt  }
0x4c: {  	_ =	shalt  }
0x4d: {  	_ =	shalt  }
0x4e: {  	_ =	shalt  }
0x4f: {  	_ =	shalt  }
0x50: {  	_ =	shalt  }
0x51: {  	_ =	shalt  }
0x52: {  	_ =	shalt  }
0x53: {  	_ =	shalt  }
0x54: {  	_ =	shalt  }
0x55: {  	_ =	shalt  }
0x56: {  	_ =	shalt  }
0x57: {  	_ =	shalt  }
0x58: {  	_ =	shalt  }
0x59: {  	_ =	shalt  }
0x5a: {  	_ =	shalt  }
0x5b: {  	_ =	shalt  }
0x5c: {  	_ =	shalt  }
0x5d: {  	_ =	shalt  }
0x5e: {  	_ =	shalt  }
0x5f: {  	_ =	shalt  }
0x60: {  	_ =	shalt  }
0x61: {  	_ =	shalt  }
0x62: {  	_ =	shalt  }
0x63: {  	_ =	shalt  }
0x64: {  	_ =	shalt  }
0x65: {  	_ =	shalt  }
0x66: {  	_ =	shalt  }
0x67: {  	_ =	shalt  }
0x68: {  	_ =	shalt  }
0x69: {  	_ =	shalt  }
0x6a: {  	_ =	shalt  }
0x6b: {  	_ =	shalt  }
0x6c: {  	_ =	shalt  }
0x6d: {  	_ =	shalt  }
0x6e: {  	_ =	shalt  }
0x6f: {  	_ =	shalt  }
0x70: {  	_ =	shalt  }
0x71: {  	_ =	shalt  }
0x72: {  	_ =	shalt  }
0x73: {  	_ =	shalt  }
0x74: {  	_ =	shalt  }
0x75: {  	_ =	shalt  }
0x76: {  	_ =	shalt  }
0x77: {  	_ =	shalt  }
0x78: {  	_ =	shalt  }
0x79: {  	_ =	shalt  }
0x7a: {  	_ =	shalt  }
0x7b: {  	_ =	shalt  }
0x7c: {  	_ =	shalt  }
0x7d: {  	_ =	shalt  }
0x7e: {  	_ =	shalt  }
0x7f: {  	_ =	shalt  }
0x80: {  	_ =	shalt  }
0x81: {  	_ =	shalt  }
0x82: {  	_ =	shalt  }
0x83: {  	_ =	shalt  }
0x84: {  	_ =	shalt  }
0x85: {  	_ =	shalt  }
0x86: {  	_ =	shalt  }
0x87: {  	_ =	shalt  }
.Lfunc_end0:
.L_simem_size_0:
called_computation.1_lowered:
.L_overlay_start_0:
0x88: {  	s2 =	sld [smem:$0x3FD9]  }
0x89: {  	s3 =	sld [smem:$0x3FFE];
	_ =	sdelay $0x1  }
0x8a: {  	s1 =	srdreg.scid  }
0x8b: {  	s0 =	sand.u32 $0x1, s1  }
0x8c: {  	s17 =	sshll.u32 s0, $0xA;
	s2 =	sadd.s32 s3, s2  }
0x8d: {  	s2 =	sadd.s32 s2, s17  }
0x8e: {  	[smem:$0x3FC5] =	sst s2  }
0x8f: {  	_ = 	snop  }
0x90: {  	s2 =	sld [smem:$0x3FD0];
	(tm) =	ssettm $0x1  }
0x91: {  	s18 =	sld [smem:$0x3FFB];
	_ =	sdelay $0x3  }
0x92: {  	_ =	strace s18  }
0x93: {  	s3 =	sld [smem:$0x3FFC];
	_ =	sdelay $0x3  }
0x94: {  	_ =	strace s3  }
0x95: {  	s3 =	sld [smem:$0x3FFD];
	_ =	sdelay $0x3  }
0x96: {  	_ =	strace s3  }
0x97: {  	_ =	strace $0x8FFFFFFF  }
0x98: {  	s19 =	sld [smem:$0x3FDB];
	_ =	sdelay $0x1  }
0x99: {  	s4 =	simm.s32 $_scs_section_size  }
0x9a: {  	s5 =	simm.s32 $_size__tile_overlayer_lowered;
	s6 =	simm.s32 $_tile_overlayer_lowered  }
0x9b: {  	s22 =	simm.s32 $0x1BFF;
	s21 =	sshll.u32 s6, $0x1;
	s3 =	sadd.s32 s4, s19  }
0x9c: {  	s7 =	simm.s32 $0x0;
	s20 =	sshll.u32 s5, $0x1;
	s5 =	sadd.s32 s21, s3  }
0x9d: {  	[timem:s7], [sflag:s22] =	dma.local [hbm:s5], s20  }
0x9e: {  	_ =	swait.ge [sflag:s22], s20  }
0x9f: {  	s4 =	ssub.s32 $0x0, s20;
	[sflag:s22] =	ssyncset.done $0x0  }
0xa0: {  	[sflag:s22] =	ssyncadd.s32 s4;
	_ =	sdelay $0x1  }
0xa1: {  	s23 =	simm.s32 $0x1B8B  }
0xa2: {  	_ =	swait.ge [sflag:s23], $0x1  }
0xa3: {  	[sflag:s23] =	ssyncset.done $0x0  }
0xa4: {  	s25 =	simm.s32 $0x1B8E;
	s24 =	sld [smem:$0x3FFE];
	[sflag:s23] =	ssyncadd.s32 $0xFFFFFFFF  }
0xa5: {  	s26 =	simm.s32 $execute0_lowered;
	[smem:$0x3FD2] =	sst s25  }
0xa6: {  	s5 =	sshll.u32 s26, $0x1;
	_ =	strace $0x80000046;
	[dreg:$0x1] =	wrdreg $0xFFFFFFFF  }
0xa7: {  	s28 =	simm.s32 $_size_execute0_lowered;
	s3 =	sadd.s32 s3, s5;
	[dreg:$0x0] =	wrdreg $0x0  }
0xa8: {  	s5 =	sshll.u32 s28, $0x1;
	[dreg:$0x2] =	wrdreg s3  }
0xa9: {  	[dreg:$0x3] =	wrdreg s5  }
0xaa: {  	[dreg:$0x4] =	wrdreg $0xC0  }
0xab: {  	_ =	task [dreg:s7], $0x5FFFF  }
0xac: {  	[dreg:$0x1] =	wrdreg $0xFFFFFFFF  }
0xad: {  	[dreg:$0x0] =	wrdreg $0x60  }
0xae: {  	[dreg:$0x2] =	wrdreg s24  }
0xaf: {  	[dreg:$0x3] =	wrdreg s2  }
0xb0: {  	[dreg:$0x4] =	wrdreg $0x9  }
0xb1: {  	_ =	task.clear_ibuf [dreg:s7], $0x5FFFF;
	_ =	strace $0x90000046  }
0xb2: {  	s29 =	simm.s32 $0x9;
	_ =	strace $0x80000048  }
0xb3: {  	_ =	swait.ge [sflag:s29], $0x1  }
0xb4: {  	[sflag:s29] =	ssyncadd.s32 $0xFFFFFFFF  }
0xb5: {  	_ =	strace $0x90000048  }
0xb6: {  	_ =	sfence  }
0xb7: {  	s30 =	sld [smem:$0x0];
	_ =	sdelay $0x2  }
0xb8: {  	s31 =	sshll.u32 s1, $0xD;
	s1 =	sshrl.u32 s1, $0x2  }
0xb9: {  	s3 =	sand.u32 $0x4000, s31;
	s1 =	sadd.s32 s1, s30  }
0xba: {  	s0 =	sor.u32 s3, s0;
	s1 =	sshll.u32 s1, $0x11  }
0xbb: {  	s0 =	sor.u32 s1, s0  }
0xbc: {  	s0 =	sadd.s32 $0x8F2B, s0  }
0xbd: {  	[sflag:s0] =	ssyncadd.remote.s32 $0x1  }
0xbe: {  	_ =	sfence.sel $0xFFFF  }
0xbf: {  	[dreg:$0x0] =	wrdreg $0xFFFFFFFF;
	(pc) =	sbr.abs _section_cstart, $3  }
0xc0: {  	[dreg:$0x1] =	wrdreg $0xFFFFFFFF  }
0xc1: {  	_ =	task.clear_ibuf [dreg:s7], $0x2FFFF;
	_ =	strace $0x9FFFFFFF  }
0xc2: {  	(tm) =	ssettm $0x7FFFFFFF  }
0xc3: {  	_ =	shalt  }
tec
execute0_lowered:
.L_overlay_start_1:
0x0: {  	(tag) =	ssettag $0x1  }
0x1: {  	s0 =	srdreg.scid;
	s10 =	stileid.u32  }
0x2: {  	s4 =	rddreg [dreg:$0x0];
	s1 =	sand.u32 $0x1, s0;
	s15 =	sshll.u32 s10, $0x1  }
0x3: {  	s2 =	simm.s32 $0x1;
	s6 =	rddreg [dreg:$0x1];
	s0 =	sor.u32 s1, s15  }
0x4: {  	s16 =	sadd.s32 $0xC00, s4;
	p1 =	seq.s32 s1, $0x1;
	p0 =	seq.s32 s0, $0x0  }
0x5: {  	s21 =	sadd.s32 $0x1000, s4;
	s22 =	sadd.s32 $0x1400, s4;
	p0 =	por !p0, !p1  }
0x6: {  	s23 =	sadd.s32 $0x1800, s4;
	s24 =	sadd.s32 $0x1C00, s4;
	p0 =	por !p0, !p0  }
0x7: {  	s11 =	sadd.s32 $0x2000, s4;
	s25 =	smul.u32 $0x145800, s10;
	s2 =	simm.s32 @!p0 $0x0  }
0x8: {  	s7 =	smul.u32 $0x93C00, s1;
	s8 =	ssub.s32 $0x2, s1;
	s2 =	ssub.s32 s10, s2  }
0x9: {  	s0 =	sshll.u32 s0, $0x5;
	s3 =	sand.u32 $0x1FFFFFFF, s2;
	s2 =	simm.s32 $0x0  }
0xa: {  	s1 =	sshll.u32 s1, $0x9;
	s9 =	sadd.s32 s0, s4;
	[smem:$0x7FF] =	sst s2  }
0xb: {  	s20 =	sadd.s32 $0x800, s9;
	_ =	strace $0x80000047;
	[dreg:$0x3] =	wrdreg s16  }
0xc: {  	s17 =	sshrl.u32 s8, $0x1;
	s5 =	smul.u32 $0x127800, s3;
	[dreg:$0x6] =	wrdreg s20  }
0xd: {  	s1 =	sor.u32 s1, s25;
	s0 =	ssub.s32 s8, s17;
	[dreg:$0x7] =	wrdreg s21  }
0xe: {  	s1 =	sshrl.u32 s1, $0x3;
	[dreg:$0x8] =	wrdreg s22;
	s5 =	sadd.s32 s7, s5  }
0xf: {  	s0 =	smax.u32 s0, $0x1;
	[dreg:$0x9] =	wrdreg s23;
	s5 =	sshrl.u32 s5, $0x3  }
0x10: {  	s3 =	smul.u32 $0x145800, s3;
	[dreg:$0xa] =	wrdreg s24;
	s5 =	sadd.s32 s5, s4  }
0x11: {  	s21 =	sadd.s32 s6, s1;
	[smem:$0x7FD] =	sst s0;
	s18 =	sadd.s32 $0xFC00, s5  }
0x12: {  	s3 =	sadd.s32 s3, s7;
	s19 =	sadd.s32 $0x10C00, s5;
	[dreg:$0x4] =	wrdreg s18  }
0x13: {  	s3 =	sshrl.u32 s3, $0x3;
	s26 =	sadd.s32 $0x11C00, s5;
	[dreg:$0x5] =	wrdreg s19  }
0x14: {  	s1 =	sadd.s32 s6, s3;
	s6 =	sadd.s32 $0x13C00, s5;
	[dreg:$0xb] =	wrdreg s26  }
0x15: {  	s12 =	sadd.s32 $0x2400, s4;
	s7 =	sadd.s32 $0x14C00, s5;
	[dreg:$0xd] =	wrdreg s6  }
0x16: {  	s13 =	sadd.s32 $0x2800, s4;
	s8 =	sadd.s32 $0x15C00, s5;
	[dreg:$0xe] =	wrdreg s7  }
0x17: {  	s14 =	sadd.s32 $0x2C00, s4;
	s9 =	sadd.s32 $0x16C00, s5;
	[dreg:$0xf] =	wrdreg s8  }
0x18: {  	s15 =	sadd.s32 $0x3000, s4;
	s10 =	sadd.s32 $0x17C00, s5;
	[dreg:$0x10] =	wrdreg s9  }
0x19: {  	s17 =	sadd.s32 $0x3800, s4;
	s22 =	sadd.s32 $0x18C00, s5;
	[dreg:$0x11] =	wrdreg s10  }
0x1a: {  	s16 =	sadd.s32 $0x3400, s4;
	s23 =	sadd.s32 $0x19C00, s5;
	[dreg:$0x12] =	wrdreg s22  }
0x1b: {  	s20 =	sadd.s32 $0x4400, s4;
	s24 =	sadd.s32 $0x1AC00, s5;
	[dreg:$0x13] =	wrdreg s23  }
0x1c: {  	s25 =	sadd.s32 $0x1BC00, s5;
	s18 =	sadd.s32 $0x3C00, s4;
	[dreg:$0x14] =	wrdreg s24  }
0x1d: {  	s19 =	sadd.s32 $0x4000, s4;
	s4 =	sadd.s32 $0x12C00, s5;
	[dreg:$0x15] =	wrdreg s25  }
0x1e: {  	s26 =	sadd.s32 $0x1CC00, s5;
	[dreg:$0xc] =	wrdreg s4  }
0x1f: {  	s6 =	sadd.s32 $0x1EC00, s5;
	[dreg:$0x16] =	wrdreg s26  }
0x20: {  	s7 =	sadd.s32 $0x1FC00, s5;
	[dreg:$0x18] =	wrdreg s6  }
0x21: {  	s8 =	sadd.s32 $0x20C00, s5;
	[dreg:$0x19] =	wrdreg s7  }
0x22: {  	s9 =	sadd.s32 $0x21C00, s5;
	[dreg:$0x1a] =	wrdreg s8  }
0x23: {  	s10 =	sadd.s32 $0x3C00, s1;
	[dreg:$0x1b] =	wrdreg s9  }
0x24: {  	s22 =	sadd.s32 $0x4C00, s1;
	[dreg:$0x1c] =	wrdreg s10  }
0x25: {  	s23 =	sadd.s32 $0x5C00, s1;
	[dreg:$0x1d] =	wrdreg s22  }
0x26: {  	s24 =	sadd.s32 $0x6C00, s1;
	[dreg:$0x1e] =	wrdreg s23  }
0x27: {  	s25 =	sadd.s32 $0x7C00, s1;
	[dreg:$0x1f] =	wrdreg s24  }
0x28: {  	s4 =	sadd.s32 $0x1DC00, s5;
	[smem:$0x7EE] =	sst s25  }
0x29: {  	s26 =	sadd.s32 $0x8C00, s1;
	[dreg:$0x17] =	wrdreg s4  }
0x2a: {  	s5 =	sadd.s32 $0xAC00, s1;
	[smem:$0x7EF] =	sst s26  }
0x2b: {  	s6 =	sadd.s32 $0xBC00, s1;
	[smem:$0x7F1] =	sst s5  }
0x2c: {  	s7 =	sadd.s32 $0xCC00, s1;
	[smem:$0x7F2] =	sst s6  }
0x2d: {  	s28 =	simm.s32 $0x2;
	s8 =	sadd.s32 $0xDC00, s1;
	[smem:$0x7F3] =	sst s7  }
0x2e: {  	s29 =	simm.s32 $0x5;
	s9 =	sadd.s32 $0xEC00, s1;
	[smem:$0x7F4] =	sst s8  }
0x2f: {  	s30 =	simm.s32 $0x3;
	s10 =	sadd.s32 $0xFC00, s1;
	[smem:$0x7F5] =	sst s9  }
0x30: {  	s31 =	simm.s32 $0x6;
	s22 =	sadd.s32 $0x10C00, s1;
	[smem:$0x7F6] =	sst s10  }
0x31: {  	s0 =	sadd.s32 $0x10, s21;
	s23 =	sadd.s32 $0x11C00, s1;
	[smem:$0x7F7] =	sst s22  }
0x32: {  	s3 =	simm.s32 $0x0;
	s24 =	sadd.s32 $0x12C00, s1;
	[smem:$0x7F8] =	sst s23  }
0x33: {  	s25 =	sadd.s32 $0x13C00, s1;
	s4 =	sadd.s32 $0x9C00, s1;
	[smem:$0x7F9] =	sst s24  }
0x34: {  	[smem:$0x7FA] =	sst s25;
	s26 =	sadd.s32 $0x14C00, s1;
	s1 =	sadd.s32 $0x15C00, s1  }
0x35: {  	s5 =	sadd.s32 $0x30, s21;
	s6 =	simm.s32 $0x7900;
	[smem:$0x7F0] =	sst s4  }
0x36: {  	v0 =	vlaneseq.u32;
	s22 =	simm.s32 $0xF900;
	s23 =	simm.s32 $0x8;
	[smem:$0x7FB] =	sst s26  }
0x37: {  	v1 =	vshrl.u32 v0, $0x1;
	s24 =	simm.s32 $0x7;
	s25 =	simm.s32 $0x17900;
	[smem:$0x7FC] =	sst s1  }
0x38: {  	vm0 =	vmmov $0xffff;
	v0 =	vand.u32 $0x1, v0;
	v1 =	vmul.u32 $0x8, v1;
	s1 =	simm.s32 $0x1;
	s4 =	sadd.s32 $0x20, s21;
	s26 =	simm.s32 $0x4  }
.LBB2_1:
0x39: {  	s7 =	rddreg [dreg:$0x4]  }
0x3a: {  	[tilespmem:s6], [sflag:$0x1] =	stream.linear.gather [hbm4b:s7+s2], $0x8000, $0x38;
	[tilespmem:$0x1F900] =	vst v63  }
0x3b: {  	s8 =	rddreg [dreg:$0x5]  }
0x3c: {  	[tilespmem:s22], [sflag:$0x2] =	stream.linear.gather [hbm4b:s8+s2], $0x8000, $0x38;
	[tilespmem:$0x1F900] =	vst v63  }
0x3d: {  	s9 =	rddreg [dreg:$0x6]  }
0x3e: {  	[tilespmem:s2], [sflag:$0x8] =	stream.linear.gather [hbm4b:s9+s2], $0x100, $0x38;
	[tilespmem:$0x1F900] =	vst v63  }
0x3f: {  	_ =	swait.ge [sflag:s23], $0x100  }
0x40: {  	[sflag:s23] =	ssyncset.done $0x0  }
0x41: {  	[sflag:s23] =	ssyncadd.s32 $0xFFFFFF00  }
0x42: {  	v2 =	vld.msk [tilespmem:$0x0], $0x3;
	_ =	sdelay $0x4  }
0x43: {  	v3 =	vshrl.u32 v2, $0x3  }
0x44: {  	v3 =	vmul.u32 $0x3C0, v3  }
0x45: {  	v2 =	vand.u32 $0x7, v2  }
0x46: {  	v2 =	vor.u32 v2, v3  }
0x47: {  	v2 =	vperm.xlane v2, v0;
	_ =	sdelay $0x1  }
0x48: {  	v2 =	vadd.s32 v1, v2;
	_ =	sdelay $0x3  }
0x49: {  	s7 =	simm.s32 $0x100;
	s8 =	rddreg [dreg:$0x3]  }
0x4a: {  	[tilespmem:s7], [sflag:$0x7] =	stream.indirect_vreg.gather [hbm4b:s8+s2], $0x80, v2, vm0, $0xb8;
	[tilespmem:$0x1F900] =	vst v63  }
0x4b: {  	s9 =	simm.s32 $0x900;
	s10 =	rddreg [dreg:$0x7]  }
0x4c: {  	[tilespmem:s9], [sflag:$0x7] =	stream.indirect_vreg.gather [hbm4b:s10+s2], $0x80, v2, vm0, $0xb8;
	[tilespmem:$0x1F900] =	vst v63  }
0x4d: {  	s9 =	rddreg [dreg:$0x8];
	s10 =	simm.s32 $0x1100  }
0x4e: {  	[tilespmem:s10], [sflag:$0x7] =	stream.indirect_vreg.gather [hbm4b:s9+s2], $0x80, v2, vm0, $0xb8;
	[tilespmem:$0x1F900] =	vst v63  }
0x4f: {  	s9 =	rddreg [dreg:$0x9];
	s10 =	simm.s32 $0x1900  }
0x50: {  	[tilespmem:s10], [sflag:$0x7] =	stream.indirect_vreg.gather [hbm4b:s9+s2], $0x80, v2, vm0, $0xb8;
	[tilespmem:$0x1F900] =	vst v63  }
0x51: {  	s9 =	rddreg [dreg:$0xa];
	s10 =	simm.s32 $0x2100  }
0x52: {  	[tilespmem:s10], [sflag:$0x7] =	stream.indirect_vreg.gather [hbm4b:s9+s2], $0x80, v2, vm0, $0xb8;
	[tilespmem:$0x1F900] =	vst v63  }
0x53: {  	s9 =	simm.s32 $0x2900  }
0x54: {  	[tilespmem:s9], [sflag:$0x7] =	stream.indirect_vreg.gather [hbm4b:s11+s2], $0x80, v2, vm0, $0xb8;
	[tilespmem:$0x1F900] =	vst v63  }
0x55: {  	s10 =	simm.s32 $0x3100  }
0x56: {  	[tilespmem:s10], [sflag:$0x7] =	stream.indirect_vreg.gather [hbm4b:s12+s2], $0x80, v2, vm0, $0xb8;
	[tilespmem:$0x1F900] =	vst v63  }
0x57: {  	s9 =	simm.s32 $0x3900  }
0x58: {  	[tilespmem:s9], [sflag:$0x7] =	stream.indirect_vreg.gather [hbm4b:s13+s2], $0x80, v2, vm0, $0xb8;
	[tilespmem:$0x1F900] =	vst v63  }
0x59: {  	s10 =	simm.s32 $0x4100  }
0x5a: {  	[tilespmem:s10], [sflag:$0x7] =	stream.indirect_vreg.gather [hbm4b:s14+s2], $0x80, v2, vm0, $0xb8;
	[tilespmem:$0x1F900] =	vst v63  }
0x5b: {  	s9 =	simm.s32 $0x4900  }
0x5c: {  	[tilespmem:s9], [sflag:$0x7] =	stream.indirect_vreg.gather [hbm4b:s15+s2], $0x80, v2, vm0, $0xb8;
	[tilespmem:$0x1F900] =	vst v63  }
0x5d: {  	s10 =	simm.s32 $0x5100  }
0x5e: {  	[tilespmem:s10], [sflag:$0x7] =	stream.indirect_vreg.gather [hbm4b:s16+s2], $0x80, v2, vm0, $0xb8;
	[tilespmem:$0x1F900] =	vst v63  }
0x5f: {  	s9 =	simm.s32 $0x5900  }
0x60: {  	[tilespmem:s9], [sflag:$0x7] =	stream.indirect_vreg.gather [hbm4b:s17+s2], $0x80, v2, vm0, $0xb8;
	[tilespmem:$0x1F900] =	vst v63  }
0x61: {  	s10 =	simm.s32 $0x6100  }
0x62: {  	[tilespmem:s10], [sflag:$0x7] =	stream.indirect_vreg.gather [hbm4b:s18+s2], $0x80, v2, vm0, $0xb8;
	[tilespmem:$0x1F900] =	vst v63  }
0x63: {  	s9 =	simm.s32 $0x6900  }
0x64: {  	[tilespmem:s9], [sflag:$0x7] =	stream.indirect_vreg.gather [hbm4b:s19+s2], $0x80, v2, vm0, $0xb8;
	[tilespmem:$0x1F900] =	vst v63  }
0x65: {  	s10 =	simm.s32 $0x7100  }
0x66: {  	[tilespmem:s10], [sflag:$0x7] =	stream.indirect_vreg.gather [hbm4b:s20+s2], $0x80, v2, vm0, $0xb8;
	[tilespmem:$0x1F900] =	vst v63  }
0x67: {  	_ =	swait.ge [sflag:s24], $0x7800  }
0x68: {  	s8 =	simm.s32 $0x80;
	[sflag:s24] =	ssyncset.done $0x0  }
0x69: {  	s9 =	simm.s32 $0x200;
	s10 =	sadd.s32 $0x0, s21;
	[sflag:s24] =	ssyncadd.s32 $0xFFFF8800  }
.LBB2_2:
0x6a: {  	[hbm4b:s10+s2] =	stream.linear.scatter [tilespmem:s7], [sflag:$0x8], $0x80, $0x38;
	[tilespmem:$0x1F900] =	vst v63  }
0x6b: {  	s10 =	smov.u32 s8;
	s7 =	smov.u32 s9;
	p0 =	sne.s32 s8, $0x3B80  }
.Ltmp0:
0x6c: {  	s8 =	sadd.s32 $0x80, s8;
	(pc) =	sbr.rel @p0 .LBB2_2-.Ltmp0, $2  }
0x6d: {  	_ =	sdelay $0x2  }
0x6e: {  	s9 =	sadd.s32 $0x100, s9;
	s10 =	sadd.s32 s10, s21  }
0x6f: {  	[hbm4b:s10+s2] =	stream.linear.scatter [tilespmem:s7], [sflag:$0x8], $0x80, $0x38;
	[tilespmem:$0x1F900] =	vst v63  }
0x70: {  	_ =	swait.ge [sflag:s23], $0x3C00  }
0x71: {  	s7 =	simm.s32 $0x180;
	s8 =	simm.s32 $0x80;
	[sflag:s23] =	ssyncset.done $0x0  }
0x72: {  	s10 =	sadd.s32 $0x0, s0;
	s9 =	simm.s32 $0x280;
	[sflag:s23] =	ssyncadd.s32 $0xFFFFC400  }
.LBB2_4:
0x73: {  	[hbm4b:s10+s2] =	stream.linear.scatter [tilespmem:s7], [sflag:$0x8], $0x80, $0x38;
	[tilespmem:$0x1F900] =	vst v63  }
0x74: {  	s10 =	smov.u32 s8;
	s7 =	smov.u32 s9;
	p0 =	sne.s32 s8, $0x3B80  }
.Ltmp1:
0x75: {  	s8 =	sadd.s32 $0x80, s8;
	(pc) =	sbr.rel @p0 .LBB2_4-.Ltmp1, $2  }
0x76: {  	_ =	sdelay $0x2  }
0x77: {  	s9 =	sadd.s32 $0x100, s9;
	s10 =	sadd.s32 s10, s0  }
0x78: {  	[hbm4b:s10+s2] =	stream.linear.scatter [tilespmem:s7], [sflag:$0x8], $0x80, $0x38;
	[tilespmem:$0x1F900] =	vst v63  }
0x79: {  	_ =	swait.ge [sflag:s23], $0x3C00  }
0x7a: {  	[sflag:s23] =	ssyncset.done $0x0  }
0x7b: {  	[sflag:s23] =	ssyncadd.s32 $0xFFFFC400  }
0x7c: {  	v2 =	vld.msk [tilespmem:$0x80], $0x3;
	_ =	sdelay $0x4  }
0x7d: {  	v3 =	vshrl.u32 v2, $0x3  }
0x7e: {  	v3 =	vmul.u32 $0x3C0, v3  }
0x7f: {  	v2 =	vand.u32 $0x7, v2  }
0x80: {  	v2 =	vor.u32 v2, v3  }
0x81: {  	v2 =	vperm.xlane v2, v0;
	_ =	sdelay $0x1  }
0x82: {  	v2 =	vadd.s32 v1, v2;
	_ =	sdelay $0x3  }
0x83: {  	s8 =	simm.s32 $0x0;
	s7 =	simm.s32 $0x100;
	s9 =	rddreg [dreg:$0x3]  }
0x84: {  	[tilespmem:s7], [sflag:$0x7] =	stream.indirect_vreg.gather [hbm4b:s9+s8], $0x80, v2, vm0, $0xb8;
	[tilespmem:$0x1F900] =	vst v63  }
0x85: {  	s10 =	simm.s32 $0x900;
	s9 =	rddreg [dreg:$0x7]  }
0x86: {  	[tilespmem:s10], [sflag:$0x7] =	stream.indirect_vreg.gather [hbm4b:s9+s8], $0x80, v2, vm0, $0xb8;
	[tilespmem:$0x1F900] =	vst v63  }
0x87: {  	s9 =	rddreg [dreg:$0x8];
	s10 =	simm.s32 $0x1100  }
0x88: {  	[tilespmem:s10], [sflag:$0x7] =	stream.indirect_vreg.gather [hbm4b:s9+s8], $0x80, v2, vm0, $0xb8;
	[tilespmem:$0x1F900] =	vst v63  }
0x89: {  	s9 =	rddreg [dreg:$0x9];
	s10 =	simm.s32 $0x1900  }
0x8a: {  	[tilespmem:s10], [sflag:$0x7] =	stream.indirect_vreg.gather [hbm4b:s9+s8], $0x80, v2, vm0, $0xb8;
	[tilespmem:$0x1F900] =	vst v63  }
0x8b: {  	s9 =	rddreg [dreg:$0xa];
	s10 =	simm.s32 $0x2100  }
0x8c: {  	[tilespmem:s10], [sflag:$0x7] =	stream.indirect_vreg.gather [hbm4b:s9+s8], $0x80, v2, vm0, $0xb8;
	[tilespmem:$0x1F900] =	vst v63  }
0x8d: {  	s10 =	simm.s32 $0x2900  }
0x8e: {  	[tilespmem:s10], [sflag:$0x7] =	stream.indirect_vreg.gather [hbm4b:s11+s8], $0x80, v2, vm0, $0xb8;
	[tilespmem:$0x1F900] =	vst v63  }
0x8f: {  	s10 =	simm.s32 $0x3100  }
0x90: {  	[tilespmem:s10], [sflag:$0x7] =	stream.indirect_vreg.gather [hbm4b:s12+s8], $0x80, v2, vm0, $0xb8;
	[tilespmem:$0x1F900] =	vst v63  }
0x91: {  	s10 =	simm.s32 $0x3900  }
0x92: {  	[tilespmem:s10], [sflag:$0x7] =	stream.indirect_vreg.gather [hbm4b:s13+s8], $0x80, v2, vm0, $0xb8;
	[tilespmem:$0x1F900] =	vst v63  }
0x93: {  	s10 =	simm.s32 $0x4100  }
0x94: {  	[tilespmem:s10], [sflag:$0x7] =	stream.indirect_vreg.gather [hbm4b:s14+s8], $0x80, v2, vm0, $0xb8;
	[tilespmem:$0x1F900] =	vst v63  }
0x95: {  	s10 =	simm.s32 $0x4900  }
0x96: {  	[tilespmem:s10], [sflag:$0x7] =	stream.indirect_vreg.gather [hbm4b:s15+s8], $0x80, v2, vm0, $0xb8;
	[tilespmem:$0x1F900] =	vst v63  }
0x97: {  	s10 =	simm.s32 $0x5100  }
0x98: {  	[tilespmem:s10], [sflag:$0x7] =	stream.indirect_vreg.gather [hbm4b:s16+s8], $0x80, v2, vm0, $0xb8;
	[tilespmem:$0x1F900] =	vst v63  }
0x99: {  	s10 =	simm.s32 $0x5900  }
0x9a: {  	[tilespmem:s10], [sflag:$0x7] =	stream.indirect_vreg.gather [hbm4b:s17+s8], $0x80, v2, vm0, $0xb8;
	[tilespmem:$0x1F900] =	vst v63  }
0x9b: {  	s10 =	simm.s32 $0x6100  }
0x9c: {  	[tilespmem:s10], [sflag:$0x7] =	stream.indirect_vreg.gather [hbm4b:s18+s8], $0x80, v2, vm0, $0xb8;
	[tilespmem:$0x1F900] =	vst v63  }
0x9d: {  	s10 =	simm.s32 $0x6900  }
0x9e: {  	[tilespmem:s10], [sflag:$0x7] =	stream.indirect_vreg.gather [hbm4b:s19+s8], $0x80, v2, vm0, $0xb8;
	[tilespmem:$0x1F900] =	vst v63  }
0x9f: {  	s10 =	simm.s32 $0x7100  }
0xa0: {  	[tilespmem:s10], [sflag:$0x7] =	stream.indirect_vreg.gather [hbm4b:s20+s8], $0x80, v2, vm0, $0xb8;
	[tilespmem:$0x1F900] =	vst v63  }
0xa1: {  	_ =	swait.ge [sflag:s24], $0x7800  }
0xa2: {  	s9 =	simm.s32 $0x200;
	[sflag:s24] =	ssyncset.done $0x0  }
0xa3: {  	s8 =	simm.s32 $0x80;
	s10 =	sadd.s32 $0x0, s4;
	[sflag:s24] =	ssyncadd.s32 $0xFFFF8800  }
.LBB2_6:
0xa4: {  	[hbm4b:s10+s2] =	stream.linear.scatter [tilespmem:s7], [sflag:$0x8], $0x80, $0x38;
	[tilespmem:$0x1F900] =	vst v63  }
0xa5: {  	s10 =	smov.u32 s8;
	s7 =	smov.u32 s9;
	p0 =	sne.s32 s8, $0x3B80  }
.Ltmp2:
0xa6: {  	s8 =	sadd.s32 $0x80, s8;
	(pc) =	sbr.rel @p0 .LBB2_6-.Ltmp2, $2  }
0xa7: {  	_ =	sdelay $0x2  }
0xa8: {  	s9 =	sadd.s32 $0x100, s9;
	s10 =	sadd.s32 s10, s4  }
0xa9: {  	[hbm4b:s10+s2] =	stream.linear.scatter [tilespmem:s7], [sflag:$0x8], $0x80, $0x38;
	[tilespmem:$0x1F900] =	vst v63  }
0xaa: {  	_ =	swait.ge [sflag:s23], $0x3C00  }
0xab: {  	s7 =	simm.s32 $0x180;
	s8 =	simm.s32 $0x80;
	[sflag:s23] =	ssyncset.done $0x0  }
0xac: {  	s10 =	sadd.s32 $0x0, s5;
	s9 =	simm.s32 $0x280;
	[sflag:s23] =	ssyncadd.s32 $0xFFFFC400  }
.LBB2_8:
0xad: {  	[hbm4b:s10+s2] =	stream.linear.scatter [tilespmem:s7], [sflag:$0x8], $0x80, $0x38;
	[tilespmem:$0x1F900] =	vst v63  }
0xae: {  	s10 =	smov.u32 s8;
	s7 =	smov.u32 s9;
	p0 =	sne.s32 s8, $0x3B80  }
.Ltmp3:
0xaf: {  	s8 =	sadd.s32 $0x80, s8;
	(pc) =	sbr.rel @p0 .LBB2_8-.Ltmp3, $2  }
0xb0: {  	_ =	sdelay $0x2  }
0xb1: {  	s9 =	sadd.s32 $0x100, s9;
	s10 =	sadd.s32 s10, s5  }
0xb2: {  	[hbm4b:s10+s2] =	stream.linear.scatter [tilespmem:s7], [sflag:$0x8], $0x80, $0x38;
	[tilespmem:$0x1F900] =	vst v63  }
0xb3: {  	_ =	swait.ge [sflag:s23], $0x3C00  }
0xb4: {  	[sflag:s23] =	ssyncset.done $0x0  }
0xb5: {  	s10 =	rddreg [dreg:$0xb];
	[sflag:s23] =	ssyncadd.s32 $0xFFFFC400  }
0xb6: {  	[tilespmem:s25], [sflag:$0x3] =	stream.linear.gather [hbm4b:s10+s2], $0x8000, $0x38;
	[tilespmem:$0x1F900] =	vst v63  }
0xb7: {  	_ =	swait.ge [sflag:s1], $0x8000  }
0xb8: {  	[sflag:s1] =	ssyncset.done $0x0  }
0xb9: {  	s8 =	rddreg [dreg:$0x1c];
	[sflag:s1] =	ssyncadd.s32 $0xFFFF8000  }
0xba: {  	[hbm4b:s8+s2] =	stream.linear.scatter [tilespmem:s6], [sflag:$0x4], $0x8000, $0x38;
	[tilespmem:$0x1F900] =	vst v63  }
0xbb: {  	_ =	swait.ge [sflag:s26], $0x8000  }
0xbc: {  	[sflag:s26] =	ssyncset.done $0x0  }
0xbd: {  	s9 =	rddreg [dreg:$0xc];
	[sflag:s26] =	ssyncadd.s32 $0xFFFF8000  }
0xbe: {  	[tilespmem:s6], [sflag:$0x1] =	stream.linear.gather [hbm4b:s9+s2], $0x8000, $0x38;
	[tilespmem:$0x1F900] =	vst v63  }
0xbf: {  	_ =	swait.ge [sflag:s28], $0x8000  }
0xc0: {  	[sflag:s28] =	ssyncset.done $0x0  }
0xc1: {  	s10 =	rddreg [dreg:$0x1d];
	[sflag:s28] =	ssyncadd.s32 $0xFFFF8000  }
0xc2: {  	[hbm4b:s10+s2] =	stream.linear.scatter [tilespmem:s22], [sflag:$0x5], $0x8000, $0x38;
	[tilespmem:$0x1F900] =	vst v63  }
0xc3: {  	_ =	swait.ge [sflag:s29], $0x8000  }
0xc4: {  	[sflag:s29] =	ssyncset.done $0x0  }
0xc5: {  	s8 =	rddreg [dreg:$0xd];
	[sflag:s29] =	ssyncadd.s32 $0xFFFF8000  }
0xc6: {  	[tilespmem:s22], [sflag:$0x2] =	stream.linear.gather [hbm4b:s8+s2], $0x8000, $0x38;
	[tilespmem:$0x1F900] =	vst v63  }
0xc7: {  	_ =	swait.ge [sflag:s30], $0x8000  }
0xc8: {  	[sflag:s30] =	ssyncset.done $0x0  }
0xc9: {  	s9 =	rddreg [dreg:$0x1e];
	[sflag:s30] =	ssyncadd.s32 $0xFFFF8000  }
0xca: {  	[hbm4b:s9+s2] =	stream.linear.scatter [tilespmem:s25], [sflag:$0x6], $0x8000, $0x38;
	[tilespmem:$0x1F900] =	vst v63  }
0xcb: {  	_ =	swait.ge [sflag:s31], $0x8000  }
0xcc: {  	[sflag:s31] =	ssyncset.done $0x0  }
0xcd: {  	s10 =	rddreg [dreg:$0xe];
	[sflag:s31] =	ssyncadd.s32 $0xFFFF8000  }
0xce: {  	[tilespmem:s25], [sflag:$0x3] =	stream.linear.gather [hbm4b:s10+s2], $0x8000, $0x38;
	[tilespmem:$0x1F900] =	vst v63  }
0xcf: {  	_ =	swait.ge [sflag:s1], $0x8000  }
0xd0: {  	[sflag:s1] =	ssyncset.done $0x0  }
0xd1: {  	s8 =	rddreg [dreg:$0x1f];
	[sflag:s1] =	ssyncadd.s32 $0xFFFF8000  }
0xd2: {  	[hbm4b:s8+s2] =	stream.linear.scatter [tilespmem:s6], [sflag:$0x4], $0x8000, $0x38;
	[tilespmem:$0x1F900] =	vst v63  }
0xd3: {  	_ =	swait.ge [sflag:s26], $0x8000  }
0xd4: {  	[sflag:s26] =	ssyncset.done $0x0  }
0xd5: {  	s9 =	rddreg [dreg:$0xf];
	[sflag:s26] =	ssyncadd.s32 $0xFFFF8000  }
0xd6: {  	[tilespmem:s6], [sflag:$0x1] =	stream.linear.gather [hbm4b:s9+s2], $0x8000, $0x38;
	[tilespmem:$0x1F900] =	vst v63  }
0xd7: {  	_ =	swait.ge [sflag:s28], $0x8000  }
0xd8: {  	s10 =	sld [smem:$0x7EE]  }
0xd9: {  	[sflag:s28] =	ssyncset.done $0x0  }
0xda: {  	[sflag:s28] =	ssyncadd.s32 $0xFFFF8000  }
0xdb: {  	[hbm4b:s10+s2] =	stream.linear.scatter [tilespmem:s22], [sflag:$0x5], $0x8000, $0x38;
	[tilespmem:$0x1F900] =	vst v63  }
0xdc: {  	_ =	swait.ge [sflag:s29], $0x8000  }
0xdd: {  	[sflag:s29] =	ssyncset.done $0x0  }
0xde: {  	s8 =	rddreg [dreg:$0x10];
	[sflag:s29] =	ssyncadd.s32 $0xFFFF8000  }
0xdf: {  	[tilespmem:s22], [sflag:$0x2] =	stream.linear.gather [hbm4b:s8+s2], $0x8000, $0x38;
	[tilespmem:$0x1F900] =	vst v63  }
0xe0: {  	_ =	swait.ge [sflag:s30], $0x8000  }
0xe1: {  	s9 =	sld [smem:$0x7EF]  }
0xe2: {  	[sflag:s30] =	ssyncset.done $0x0  }
0xe3: {  	[sflag:s30] =	ssyncadd.s32 $0xFFFF8000  }
0xe4: {  	[hbm4b:s9+s2] =	stream.linear.scatter [tilespmem:s25], [sflag:$0x6], $0x8000, $0x38;
	[tilespmem:$0x1F900] =	vst v63  }
0xe5: {  	_ =	swait.ge [sflag:s31], $0x8000  }
0xe6: {  	[sflag:s31] =	ssyncset.done $0x0  }
0xe7: {  	s10 =	rddreg [dreg:$0x11];
	[sflag:s31] =	ssyncadd.s32 $0xFFFF8000  }
0xe8: {  	[tilespmem:s25], [sflag:$0x3] =	stream.linear.gather [hbm4b:s10+s2], $0x8000, $0x38;
	[tilespmem:$0x1F900] =	vst v63  }
0xe9: {  	_ =	swait.ge [sflag:s1], $0x8000  }
0xea: {  	s8 =	sld [smem:$0x7F0]  }
0xeb: {  	[sflag:s1] =	ssyncset.done $0x0  }
0xec: {  	[sflag:s1] =	ssyncadd.s32 $0xFFFF8000  }
0xed: {  	[hbm4b:s8+s2] =	stream.linear.scatter [tilespmem:s6], [sflag:$0x4], $0x8000, $0x38;
	[tilespmem:$0x1F900] =	vst v63  }
0xee: {  	_ =	swait.ge [sflag:s26], $0x8000  }
0xef: {  	[sflag:s26] =	ssyncset.done $0x0  }
0xf0: {  	s9 =	rddreg [dreg:$0x12];
	[sflag:s26] =	ssyncadd.s32 $0xFFFF8000  }
0xf1: {  	[tilespmem:s6], [sflag:$0x1] =	stream.linear.gather [hbm4b:s9+s2], $0x8000, $0x38;
	[tilespmem:$0x1F900] =	vst v63  }
0xf2: {  	_ =	swait.ge [sflag:s28], $0x8000  }
0xf3: {  	s10 =	sld [smem:$0x7F1]  }
0xf4: {  	[sflag:s28] =	ssyncset.done $0x0  }
0xf5: {  	[sflag:s28] =	ssyncadd.s32 $0xFFFF8000  }
0xf6: {  	[hbm4b:s10+s2] =	stream.linear.scatter [tilespmem:s22], [sflag:$0x5], $0x8000, $0x38;
	[tilespmem:$0x1F900] =	vst v63  }
0xf7: {  	_ =	swait.ge [sflag:s29], $0x8000  }
0xf8: {  	[sflag:s29] =	ssyncset.done $0x0  }
0xf9: {  	s8 =	rddreg [dreg:$0x13];
	[sflag:s29] =	ssyncadd.s32 $0xFFFF8000  }
0xfa: {  	[tilespmem:s22], [sflag:$0x2] =	stream.linear.gather [hbm4b:s8+s2], $0x8000, $0x38;
	[tilespmem:$0x1F900] =	vst v63  }
0xfb: {  	_ =	swait.ge [sflag:s30], $0x8000  }
0xfc: {  	s9 =	sld [smem:$0x7F2]  }
0xfd: {  	[sflag:s30] =	ssyncset.done $0x0  }
0xfe: {  	[sflag:s30] =	ssyncadd.s32 $0xFFFF8000  }
0xff: {  	[hbm4b:s9+s2] =	stream.linear.scatter [tilespmem:s25], [sflag:$0x6], $0x8000, $0x38;
	[tilespmem:$0x1F900] =	vst v63  }
0x100: {  	_ =	swait.ge [sflag:s31], $0x8000  }
0x101: {  	[sflag:s31] =	ssyncset.done $0x0  }
0x102: {  	s10 =	rddreg [dreg:$0x14];
	[sflag:s31] =	ssyncadd.s32 $0xFFFF8000  }
0x103: {  	[tilespmem:s25], [sflag:$0x3] =	stream.linear.gather [hbm4b:s10+s2], $0x8000, $0x38;
	[tilespmem:$0x1F900] =	vst v63  }
0x104: {  	_ =	swait.ge [sflag:s1], $0x8000  }
0x105: {  	s8 =	sld [smem:$0x7F3]  }
0x106: {  	[sflag:s1] =	ssyncset.done $0x0  }
0x107: {  	[sflag:s1] =	ssyncadd.s32 $0xFFFF8000  }
0x108: {  	[hbm4b:s8+s2] =	stream.linear.scatter [tilespmem:s6], [sflag:$0x4], $0x8000, $0x38;
	[tilespmem:$0x1F900] =	vst v63  }
0x109: {  	_ =	swait.ge [sflag:s26], $0x8000  }
0x10a: {  	[sflag:s26] =	ssyncset.done $0x0  }
0x10b: {  	s9 =	rddreg [dreg:$0x15];
	[sflag:s26] =	ssyncadd.s32 $0xFFFF8000  }
0x10c: {  	[tilespmem:s6], [sflag:$0x1] =	stream.linear.gather [hbm4b:s9+s2], $0x8000, $0x38;
	[tilespmem:$0x1F900] =	vst v63  }
0x10d: {  	_ =	swait.ge [sflag:s28], $0x8000  }
0x10e: {  	s10 =	sld [smem:$0x7F4]  }
0x10f: {  	[sflag:s28] =	ssyncset.done $0x0  }
0x110: {  	[sflag:s28] =	ssyncadd.s32 $0xFFFF8000  }
0x111: {  	[hbm4b:s10+s2] =	stream.linear.scatter [tilespmem:s22], [sflag:$0x5], $0x8000, $0x38;
	[tilespmem:$0x1F900] =	vst v63  }
0x112: {  	_ =	swait.ge [sflag:s29], $0x8000  }
0x113: {  	[sflag:s29] =	ssyncset.done $0x0  }
0x114: {  	s8 =	rddreg [dreg:$0x16];
	[sflag:s29] =	ssyncadd.s32 $0xFFFF8000  }
0x115: {  	[tilespmem:s22], [sflag:$0x2] =	stream.linear.gather [hbm4b:s8+s2], $0x8000, $0x38;
	[tilespmem:$0x1F900] =	vst v63  }
0x116: {  	_ =	swait.ge [sflag:s30], $0x8000  }
0x117: {  	s9 =	sld [smem:$0x7F5]  }
0x118: {  	[sflag:s30] =	ssyncset.done $0x0  }
0x119: {  	[sflag:s30] =	ssyncadd.s32 $0xFFFF8000  }
0x11a: {  	[hbm4b:s9+s2] =	stream.linear.scatter [tilespmem:s25], [sflag:$0x6], $0x8000, $0x38;
	[tilespmem:$0x1F900] =	vst v63  }
0x11b: {  	_ =	swait.ge [sflag:s31], $0x8000  }
0x11c: {  	[sflag:s31] =	ssyncset.done $0x0  }
0x11d: {  	s10 =	rddreg [dreg:$0x17];
	[sflag:s31] =	ssyncadd.s32 $0xFFFF8000  }
0x11e: {  	[tilespmem:s25], [sflag:$0x3] =	stream.linear.gather [hbm4b:s10+s2], $0x8000, $0x38;
	[tilespmem:$0x1F900] =	vst v63  }
0x11f: {  	_ =	swait.ge [sflag:s1], $0x8000  }
0x120: {  	s8 =	sld [smem:$0x7F6]  }
0x121: {  	[sflag:s1] =	ssyncset.done $0x0  }
0x122: {  	[sflag:s1] =	ssyncadd.s32 $0xFFFF8000  }
0x123: {  	[hbm4b:s8+s2] =	stream.linear.scatter [tilespmem:s6], [sflag:$0x4], $0x8000, $0x38;
	[tilespmem:$0x1F900] =	vst v63  }
0x124: {  	_ =	swait.ge [sflag:s26], $0x8000  }
0x125: {  	[sflag:s26] =	ssyncset.done $0x0  }
0x126: {  	s9 =	rddreg [dreg:$0x18];
	[sflag:s26] =	ssyncadd.s32 $0xFFFF8000  }
0x127: {  	[tilespmem:s6], [sflag:$0x1] =	stream.linear.gather [hbm4b:s9+s2], $0x8000, $0x38;
	[tilespmem:$0x1F900] =	vst v63  }
0x128: {  	_ =	swait.ge [sflag:s28], $0x8000  }
0x129: {  	s10 =	sld [smem:$0x7F7]  }
0x12a: {  	[sflag:s28] =	ssyncset.done $0x0  }
0x12b: {  	[sflag:s28] =	ssyncadd.s32 $0xFFFF8000  }
0x12c: {  	[hbm4b:s10+s2] =	stream.linear.scatter [tilespmem:s22], [sflag:$0x5], $0x8000, $0x38;
	[tilespmem:$0x1F900] =	vst v63  }
0x12d: {  	_ =	swait.ge [sflag:s29], $0x8000  }
0x12e: {  	[sflag:s29] =	ssyncset.done $0x0  }
0x12f: {  	s8 =	rddreg [dreg:$0x19];
	[sflag:s29] =	ssyncadd.s32 $0xFFFF8000  }
0x130: {  	[tilespmem:s22], [sflag:$0x2] =	stream.linear.gather [hbm4b:s8+s2], $0x8000, $0x38;
	[tilespmem:$0x1F900] =	vst v63  }
0x131: {  	_ =	swait.ge [sflag:s30], $0x8000  }
0x132: {  	s9 =	sld [smem:$0x7F8]  }
0x133: {  	[sflag:s30] =	ssyncset.done $0x0  }
0x134: {  	[sflag:s30] =	ssyncadd.s32 $0xFFFF8000  }
0x135: {  	[hbm4b:s9+s2] =	stream.linear.scatter [tilespmem:s25], [sflag:$0x6], $0x8000, $0x38;
	[tilespmem:$0x1F900] =	vst v63  }
0x136: {  	_ =	swait.ge [sflag:s31], $0x8000  }
0x137: {  	[sflag:s31] =	ssyncset.done $0x0  }
0x138: {  	s10 =	rddreg [dreg:$0x1a];
	[sflag:s31] =	ssyncadd.s32 $0xFFFF8000  }
0x139: {  	[tilespmem:s25], [sflag:$0x3] =	stream.linear.gather [hbm4b:s10+s2], $0x8000, $0x38;
	[tilespmem:$0x1F900] =	vst v63  }
0x13a: {  	_ =	swait.ge [sflag:s1], $0x8000  }
0x13b: {  	s8 =	sld [smem:$0x7F9]  }
0x13c: {  	[sflag:s1] =	ssyncset.done $0x0  }
0x13d: {  	[sflag:s1] =	ssyncadd.s32 $0xFFFF8000  }
0x13e: {  	[hbm4b:s8+s2] =	stream.linear.scatter [tilespmem:s6], [sflag:$0x4], $0x8000, $0x38;
	[tilespmem:$0x1F900] =	vst v63  }
0x13f: {  	_ =	swait.ge [sflag:s26], $0x8000  }
0x140: {  	[sflag:s26] =	ssyncset.done $0x0  }
0x141: {  	s9 =	rddreg [dreg:$0x1b];
	[sflag:s26] =	ssyncadd.s32 $0xFFFF8000  }
0x142: {  	[tilespmem:s6], [sflag:$0x1] =	stream.linear.gather [hbm4b:s9+s2], $0x3C00, $0x38;
	[tilespmem:$0x1F900] =	vst v63  }
0x143: {  	_ =	swait.ge [sflag:s28], $0x8000  }
0x144: {  	s10 =	sld [smem:$0x7FA]  }
0x145: {  	[sflag:s28] =	ssyncset.done $0x0  }
0x146: {  	[sflag:s28] =	ssyncadd.s32 $0xFFFF8000  }
0x147: {  	[hbm4b:s10+s2] =	stream.linear.scatter [tilespmem:s22], [sflag:$0x5], $0x8000, $0x38;
	[tilespmem:$0x1F900] =	vst v63  }
0x148: {  	_ =	swait.ge [sflag:s30], $0x8000  }
0x149: {  	s8 =	sld [smem:$0x7FB]  }
0x14a: {  	[sflag:s30] =	ssyncset.done $0x0  }
0x14b: {  	[sflag:s30] =	ssyncadd.s32 $0xFFFF8000  }
0x14c: {  	[hbm4b:s8+s2] =	stream.linear.scatter [tilespmem:s25], [sflag:$0x6], $0x8000, $0x38;
	[tilespmem:$0x1F900] =	vst v63  }
0x14d: {  	_ =	swait.ge [sflag:s1], $0x3C00  }
0x14e: {  	s9 =	sld [smem:$0x7FC]  }
0x14f: {  	[sflag:s1] =	ssyncset.done $0x0  }
0x150: {  	[sflag:s1] =	ssyncadd.s32 $0xFFFFC400  }
0x151: {  	[hbm4b:s9+s2] =	stream.linear.scatter [tilespmem:s6], [sflag:$0x4], $0x3C00, $0x38;
	[tilespmem:$0x1F900] =	vst v63  }
0x152: {  	_ =	swait.ge [sflag:s29], $0x8000  }
0x153: {  	[sflag:s29] =	ssyncset.done $0x0  }
0x154: {  	[sflag:s29] =	ssyncadd.s32 $0xFFFF8000  }
0x155: {  	_ =	swait.ge [sflag:s31], $0x8000  }
0x156: {  	[sflag:s31] =	ssyncset.done $0x0  }
0x157: {  	[sflag:s31] =	ssyncadd.s32 $0xFFFF8000  }
0x158: {  	_ =	swait.ge [sflag:s26], $0x3C00  }
0x159: {  	s10 =	sld [smem:$0x7FD];
	_ =	sdelay $0x1  }
0x15a: {  	s3 =	sadd.s32 $0x1, s3  }
0x15b: {  	p0 =	sne.s32 s3, s10  }
.Ltmp4:
0x15c: {  	_ = 	snop;
	(pc) =	sbr.rel @p0 .LBB2_1-.Ltmp4, $3  }
0x15d: {  	_ =	sdelay $0x1  }
0x15e: {  	[sflag:s26] =	ssyncset.done $0x0  }
0x15f: {  	[sflag:s26] =	ssyncadd.s32 $0xFFFFC400  }
0x160: {  	_ =	sfence.sel $0x180000  }
0x161: {  	[bflag:$0x0] =	sbarrier.arrive $0xFFFF  }
0x162: {  	_ =	strace $0x90000047  }
0x163: {  	s0 =	stileid.u32;
	[bflag:$0x2] =	sbarrier.arrive $0xFFFF  }
0x164: {  	p0 =	sne.s32 s0, $0x0;
	s0 =	rddreg [dreg:$0x2]  }
0x165: {  	s0 =	sadd.s32 @!p0 $0x100000, s0  }
0x166: {  	[sflag:s0] =	ssyncadd.tile.s32 @!p0 $0x1;
	_ =	shalt  }
.Lfunc_end2:
_tile_overlayer_lowered:
.L_overlay_start_2:
0x167: {  	(tag) =	ssettag $0x2  }
0x168: {  	s0 =	rddreg [dreg:$0x0];
	s2 =	stileid.u32  }
0x169: {  	s1 =	rddreg [dreg:$0x1];
	p0 =	sne.s32 s2, $0x0  }
0x16a: {  	s3 =	rddreg [dreg:$0x2];
	[bflag:$0x3] =	sbarrier.arrive $0xFFFF;
	s2 =	simm.s32 @!p0 $0x1C08  }
0x16b: {  	[timem:s3], [sflag:s2] =	dma.local @!p0 [hbm:s0], s1  }
0x16c: {  	s0 =	simm.s32 @!p0 $0x8  }
0x16d: {  	_ =	swait.ge @!p0 [sflag:s0], s1  }
0x16e: {  	s1 =	ssub.s32 @!p0 $0x0, s1;
	[sflag:s0] =	ssyncset.done @!p0 $0x0  }
0x16f: {  	[sflag:s0] =	ssyncadd.s32 @!p0 s1  }
0x170: {  	[bflag:$0x3] =	sbarrier.arrive $0xFFFF  }
0x171: {  	_ =	shalt  }

// kernel: sparse-core-data-format-call.cloned.1.call-start
scs
called_computation_lowered:
.L_overlay_start_0:
0x0: {  	s2 =	sld [smem:$0x3FD9]  }
0x1: {  	s3 =	sld [smem:$0x3FFE];
	_ =	sdelay $0x1  }
0x2: {  	s1 =	srdreg.scid  }
0x3: {  	s0 =	sand.u32 $0x1, s1  }
0x4: {  	s18 =	sshll.u32 s0, $0xA;
	s2 =	sadd.s32 s3, s2  }
0x5: {  	s2 =	sadd.s32 s2, s18  }
0x6: {  	[smem:$0x3FC5] =	sst s2  }
0x7: {  	_ = 	snop  }
0x8: {  	s2 =	sld [smem:$0x3FD0];
	(tm) =	ssettm $0x1  }
0x9: {  	s19 =	sld [smem:$0x3FFB];
	_ =	sdelay $0x3  }
0xa: {  	_ =	strace s19  }
0xb: {  	s3 =	sld [smem:$0x3FFC];
	_ =	sdelay $0x3  }
0xc: {  	_ =	strace s3  }
0xd: {  	s3 =	sld [smem:$0x3FFD];
	_ =	sdelay $0x3  }
0xe: {  	_ =	strace s3  }
0xf: {  	_ =	strace $0x8FFFFFFF  }
0x10: {  	s20 =	sld [smem:$0x3FDB];
	_ =	sdelay $0x1  }
0x11: {  	s4 =	simm.s32 $_scs_section_size  }
0x12: {  	s5 =	simm.s32 $_size__tile_overlayer_lowered;
	s6 =	simm.s32 $_tile_overlayer_lowered  }
0x13: {  	s23 =	simm.s32 $0x1BFF;
	s22 =	sshll.u32 s6, $0x1;
	s3 =	sadd.s32 s4, s20  }
0x14: {  	s7 =	simm.s32 $0x0;
	s21 =	sshll.u32 s5, $0x1;
	s5 =	sadd.s32 s22, s3  }
0x15: {  	[timem:s7], [sflag:s23] =	dma.local [hbm:s5], s21  }
0x16: {  	_ =	swait.ge [sflag:s23], s21  }
0x17: {  	s4 =	ssub.s32 $0x0, s21;
	[sflag:s23] =	ssyncset.done $0x0  }
0x18: {  	[sflag:s23] =	ssyncadd.s32 s4;
	_ =	sdelay $0x1  }
0x19: {  	s24 =	simm.s32 $0x1B8B  }
0x1a: {  	_ =	swait.ge [sflag:s24], $0x1  }
0x1b: {  	[sflag:s24] =	ssyncset.done $0x0  }
0x1c: {  	s26 =	simm.s32 $0x1B8E;
	s25 =	sld [smem:$0x3FFE];
	[sflag:s24] =	ssyncadd.s32 $0xFFFFFFFF  }
0x1d: {  	s27 =	simm.s32 $execute0_lowered;
	[smem:$0x3FD2] =	sst s26  }
0x1e: {  	s5 =	sshll.u32 s27, $0x1;
	_ =	strace $0x80000049;
	[dreg:$0x1] =	wrdreg $0xFFFFFFFF  }
0x1f: {  	s28 =	simm.s32 $_size_execute0_lowered;
	s3 =	sadd.s32 s3, s5;
	[dreg:$0x0] =	wrdreg $0x0  }
0x20: {  	s5 =	sshll.u32 s28, $0x1;
	[dreg:$0x2] =	wrdreg s3  }
0x21: {  	[dreg:$0x3] =	wrdreg s5  }
0x22: {  	[dreg:$0x4] =	wrdreg $0xC0  }
0x23: {  	_ =	task [dreg:s7], $0x5FFFF  }
0x24: {  	[dreg:$0x1] =	wrdreg $0xFFFFFFFF  }
0x25: {  	[dreg:$0x0] =	wrdreg $0x60  }
0x26: {  	[dreg:$0x2] =	wrdreg s25  }
0x27: {  	[dreg:$0x3] =	wrdreg s2  }
0x28: {  	[dreg:$0x4] =	wrdreg $0x9  }
0x29: {  	_ =	task.clear_ibuf [dreg:s7], $0x5FFFF;
	_ =	strace $0x90000049  }
0x2a: {  	s29 =	simm.s32 $0x9;
	_ =	strace $0x8000004B  }
0x2b: {  	_ =	swait.ge [sflag:s29], $0x1  }
0x2c: {  	[sflag:s29] =	ssyncadd.s32 $0xFFFFFFFF  }
0x2d: {  	_ =	strace $0x9000004B  }
0x2e: {  	_ =	sfence  }
0x2f: {  	s30 =	sld [smem:$0x0];
	_ =	sdelay $0x2  }
0x30: {  	s31 =	sshll.u32 s1, $0xD;
	s1 =	sshrl.u32 s1, $0x2  }
0x31: {  	s3 =	sand.u32 $0x4000, s31;
	s1 =	sadd.s32 s1, s30  }
0x32: {  	s0 =	sor.u32 s3, s0;
	s1 =	sshll.u32 s1, $0x11  }
0x33: {  	s0 =	sor.u32 s1, s0  }
0x34: {  	s0 =	sadd.s32 $0x8F2B, s0  }
0x35: {  	[sflag:s0] =	ssyncadd.remote.s32 $0x1  }
0x36: {  	_ =	sfence.sel $0xFFFF  }
0x37: {  	[dreg:$0x0] =	wrdreg $0xFFFFFFFF;
	(pc) =	sbr.abs _section_cstart, $3  }
0x38: {  	[dreg:$0x1] =	wrdreg $0xFFFFFFFF  }
0x39: {  	_ =	task.clear_ibuf [dreg:s7], $0x2FFFF;
	_ =	strace $0x9FFFFFFF  }
0x3a: {  	(tm) =	ssettm $0x7FFFFFFF  }
0x3b: {  	_ =	shalt  }
tec
execute0_lowered:
.L_overlay_start_1:
0x0: {  	(tag) =	ssettag $0x1  }
0x1: {  	s0 =	srdreg.scid;
	s6 =	rddreg [dreg:$0x0]  }
0x2: {  	s3 =	rddreg [dreg:$0x1];
	s7 =	simm.s32 $0x2;
	s1 =	sshll.u32 s0, $0x4  }
0x3: {  	s13 =	simm.s32 $0x0;
	s0 =	stileid.u32;
	s1 =	sand.u32 $0x10, s1  }
0x4: {  	p0 =	por $0x0, $0x0;
	s8 =	simm.s32 $0x1800;
	s2 =	sor.u32 s0, s1  }
.Ltmp0:
0x5: {  	s12 =	simm.s32 $0x0;
	s4 =	ssub.s32 $0xF8, s2;
	(pc) =	sbr.rel .LBB1_1-.Ltmp0, $4  }
0x6: {  	s9 =	simm.s32 $0x0;
	s1 =	rddreg [dreg:$0x2];
	s5 =	sshrl.u32 s4, $0x5  }
0x7: {  	_ =	strace $0x8000004A;
	s4 =	simm.s32 $0x1;
	s5 =	smul.u32 $0x6, s5  }
0x8: {  	s11 =	simm.s32 $0x0;
	s6 =	sadd.s32 $0x800, s6;
	[sflag:s4] =	ssyncpa.u1 $0x0  }
0x9: {  	s10 =	smov.u32 s2;
	[sflag:s7] =	ssyncpa.u1 $0x0;
	s7 =	sor.u32 $0x1, s5  }
.LBB1_4:
0xa: {  	v5 =	vld [tilespmem:s17+$0xFFFFFFD0];
	[tilespmem:s16+$0x2040 ss:$0x81] =	vst.msk $0xffff, v3;
	s19 =	sshll.u32 s13, $0x3  }
0xb: {  	v58 =	vld [tilespmem:s17+$0xFFFFFFE0];
	[tilespmem:s16+$0x2850 ss:$0x81] =	vst.msk $0xffff, v4;
	s24 =	sand.u32 $0x7F, s13;
	s19 =	sand.u32 $0xFFFFFC00, s19  }
0xc: {  	s18 =	sshra.s32 s18, $0x2;
	v59 =	vld [tilespmem:s17+$0xFFFFFFF0];
	[tilespmem:s16+$0x3060 ss:$0x81] =	vst.msk $0xffff, v2;
	s13 =	sor.u32 s24, s19  }
0xd: {  	v60 =	vld [tilespmem:s17+$0x0];
	[tilespmem:s16+$0x0 ss:$0x81] =	vst.msk $0xffff, v0;
	s15 =	sadd.s32 s18, s15;
	s25 =	smulhi.u32 $0xAAAAAAAB, s13  }
0xe: {  	v61 =	vld [tilespmem:s17+$0x10];
	[tilespmem:s15+$0x3870 ss:$0x81] =	vst.msk $0xffff, v1;
	s26 =	smulhi.u32 $0xAAAAAAAB, s19  }
0xf: {  	v62 =	vld [tilespmem:s17+$0x20];
	[tilespmem:s15+$0x810 ss:$0x81] =	vst.msk $0xffff, v5;
	s16 =	sshrl.u32 s25, $0x9  }
0x10: {  	v63 =	vld [tilespmem:s17+$0xFFFFFFC0];
	s27 =	sshrl.u32 s26, $0x9;
	[tilespmem:s15+$0x1020 ss:$0x81] =	vst.msk $0xffff, v58;
	s16 =	smul.u32 $0x300, s16  }
0x11: {  	s12 =	smul.u32 $0x3000, s12;
	[tilespmem:s15+$0x1830 ss:$0x81] =	vst.msk $0xffff, v59;
	s17 =	sand.u32 $0x7F, s27  }
0x12: {  	[tilespmem:s15+$0x2040 ss:$0x81] =	vst.msk $0xffff, v60;
	s28 =	smul.u32 $0x60, s17;
	s13 =	ssub.s32 s13, s16  }
0x13: {  	s12 =	sadd.s32 s3, s12;
	[tilespmem:s15+$0x2850 ss:$0x81] =	vst.msk $0xffff, v61;
	s29 =	sand.u32 $0x7, s13  }
0x14: {  	[tilespmem:s15+$0x3060 ss:$0x81] =	vst.msk $0xffff, v62;
	s12 =	sadd.s32 s28, s12;
	s13 =	sshrl.u32 s13, $0x3;
	s30 =	sshll.u32 s29, $0x12  }
0x15: {  	[tilespmem:s15+$0x0 ss:$0x81] =	vst.msk $0xffff, v63;
	s12 =	sadd.s32 s13, s12;
	s31 =	sor.u32 $0x400, s30  }
0x16: {  	[hbm4b:s12+s31] =	stream.strided.scatter [tilespmem:s14], [sflag:$0x2], $0x4000, s8, s31, $0x20;
	[tilespmem:$0x10100] =	vst v63  }
.LBB1_5:
0x17: {  	s14 =	sadd.s32 $0x80, s9  }
0x18: {  	s12 =	sadd.s32 $0x20, s10;
	s16 =	smov.u32 s10;
	p2 =	sgt.s32 s14, $0x2FF  }
0x19: {  	s16 =	smov.u32 @p2 s12  }
0x1a: {  	s14 =	simm.s32 @p2 $0x0;
	p2 =	sgt.s32 s16, $0xD8  }
0x1b: {  	s16 =	smov.u32 @p2 s2;
	p2 =	sne.s32 s11, s7  }
.Ltmp1:
0x1c: {  	p1 =	slt.u32 s11, $0x2;
	(pc) =	sbr.rel @!p2 .LBB1_6-.Ltmp1, $4  }
0x1d: {  	s15 =	simm.s32 @!p1 $0x2  }
0x1e: {  	s13 =	smov.u32 s9;
	p0 =	por !p0, !p0;
	_ =	swait.ge @!p1 [sflag:s15], $0x4000  }
0x1f: {  	s12 =	smov.u32 s10;
	[sflag:s15] =	ssyncset.done @!p1 $0x0;
	s9 =	smov.u32 s14  }
0x20: {  	s11 =	sadd.s32 $0x1, s11;
	[sflag:s15] =	ssyncadd.s32 @!p1 $0xFFFFC000;
	s10 =	smov.u32 s16  }
.LBB1_1:
0x21: {  	p1 =	sge.u32 s11, s5  }
0x22: {  	s14 =	sand.u32 @!p1 $0x1FFFFFF, s9  }
0x23: {  	s15 =	smulhi.u32 @!p1 $0xAAAAAB, s14;
	_ =	sdelay $0x1  }
0x24: {  	s15 =	sshrl.u32 @!p1 s15, $0x1  }
0x25: {  	s15 =	smul.u32 @!p1 $0x300, s15  }
0x26: {  	s16 =	smul.u32 @!p1 $0x3000, s10  }
0x27: {  	s31 =	sadd.s32 $0xFFFFFFFF, s11;
	s14 =	ssub.s32 @!p1 s14, s15;
	s15 =	sxor.u32 @!p1 $0xFFFFFFFF, s11  }
0x28: {  	s16 =	sadd.s32 @!p1 s6, s16;
	s15 =	sshll.u32 @!p1 s15, $0xE;
	s14 =	sshll.u32 @!p1 s14, $0x4  }
0x29: {  	s15 =	sand.u32 @!p1 $0x4000, s15;
	s14 =	sadd.s32 @!p1 s14, s16;
	s16 =	simm.s32 @!p1 $0x0  }
0x2a: {  	[tilespmem:s15], [sflag:$0x1] =	stream.linear.gather @!p1 [hbm4b:s14+s16], $0x4000, $0x38;
	[tilespmem:$0x10100] =	vst v63  }
0x2b: {  	p1 =	sge.u32 s31, s5  }
.Ltmp2:
0x2c: {  	_ = 	snop;
	(pc) =	sbr.rel @p1 .LBB1_5-.Ltmp2, $1  }
0x2d: {  	_ =	sdelay $0x3  }
0x2e: {  	s14 =	simm.s32 $0x1  }
0x2f: {  	_ =	swait.ge [sflag:s4], $0x4000;
	s14 =	simm.s32 @!p0 $0x0  }
0x30: {  	[sflag:s4] =	ssyncset.done $0x0;
	s15 =	sshll.u32 s14, $0xE  }
0x31: {  	[sflag:s4] =	ssyncadd.s32 $0xFFFFC000;
	s17 =	sor.u32 $0x40, s15  }
0x32: {  	s14 =	smul.u32 $0x10200, s14;
	v0 =	vld [tilespmem:s17+$0x30]  }
0x33: {  	v1 =	vld [tilespmem:s17+$0xFFFFFFD0]  }
0x34: {  	s14 =	sshrl.u32 s14, $0x2;
	v5 =	vld [tilespmem:s17+$0xFFFFFFE0]  }
0x35: {  	v6 =	vld [tilespmem:s17+$0xFFFFFFF0];
	s15 =	sor.u32 $0x8000, s14  }
0x36: {  	s31 =	sand.u32 $0x1, s11;
	v3 =	vld [tilespmem:s17+$0x0];
	s16 =	sadd.s32 $0x0, s15  }
0x37: {  	v4 =	vld [tilespmem:s17+$0x10];
	s14 =	smul.u32 $0x10200, s31;
	[tilespmem:s16+$0x3870 ss:$0x81] =	vst.msk $0xffff, v0  }
0x38: {  	v2 =	vld [tilespmem:s17+$0x20];
	[tilespmem:s16+$0x810 ss:$0x81] =	vst.msk $0xffff, v1  }
0x39: {  	s14 =	sshrl.u32 s14, $0x2;
	v0 =	vld [tilespmem:s17+$0xFFFFFFC0];
	[tilespmem:s16+$0x1020 ss:$0x81] =	vst.msk $0xffff, v5;
	s17 =	sadd.s32 $0x80, s17  }
0x3a: {  	s18 =	simm.s32 $0x4;
	s19 =	simm.s32 $0x8;
	s14 =	sor.u32 $0x8000, s14;
	[tilespmem:s16+$0x1830 ss:$0x81] =	vst.msk $0xffff, v6;
	v1 =	vld [tilespmem:s17+$0x30]  }
.LBB1_3:
0x3b: {  	p1 =	sne.s32 s19, $0x1FC;
	v5 =	vld [tilespmem:s17+$0xFFFFFFD0];
	[tilespmem:s16+$0x2040 ss:$0x81] =	vst.msk $0xffff, v3  }
0x3c: {  	v6 =	vld [tilespmem:s17+$0xFFFFFFE0];
	[tilespmem:s16+$0x2850 ss:$0x81] =	vst.msk $0xffff, v4  }
0x3d: {  	s20 =	sshra.s32 s18, $0x2;
	s18 =	smov.u32 s19;
	v7 =	vld [tilespmem:s17+$0xFFFFFFF0];
	[tilespmem:s16+$0x3060 ss:$0x81] =	vst.msk $0xffff, v2  }
.Ltmp3:
0x3e: {  	v3 =	vld [tilespmem:s17+$0x0];
	[tilespmem:s16+$0x0 ss:$0x81] =	vst.msk $0xffff, v0;
	s16 =	sadd.s32 s20, s15;
	(pc) =	sbr.rel @p1 .LBB1_3-.Ltmp3, $4  }
0x3f: {  	v4 =	vld [tilespmem:s17+$0x10];
	[tilespmem:s16+$0x3870 ss:$0x81] =	vst.msk $0xffff, v1  }
0x40: {  	[tilespmem:s16+$0x810 ss:$0x81] =	vst.msk $0xffff, v5;
	v2 =	vld [tilespmem:s17+$0x20]  }
0x41: {  	v0 =	vld [tilespmem:s17+$0xFFFFFFC0];
	[tilespmem:s16+$0x1020 ss:$0x81] =	vst.msk $0xffff, v6;
	s17 =	sadd.s32 $0x80, s17  }
0x42: {  	s19 =	sadd.s32 $0x4, s19;
	v1 =	vld [tilespmem:s17+$0x30];
	[tilespmem:s16+$0x1830 ss:$0x81] =	vst.msk $0xffff, v7  }
.Ltmp4:
0x43: {  	_ = 	snop;
	(pc) =	sbr.rel .LBB1_4-.Ltmp4, $1  }
0x44: {  	_ =	sdelay $0x3  }
.LBB1_6:
0x45: {  	_ =	sfence.sel $0x180000  }
0x46: {  	s2 =	simm.s32 $0x1;
	[bflag:$0x0] =	sbarrier.arrive $0xFFFF  }
0x47: {  	s31 =	simm.s32 $0x2;
	[sflag:s2] =	ssyncpa.u1 $0x1  }
0x48: {  	[sflag:s31] =	ssyncpa.u1 $0x1  }
0x49: {  	p0 =	sne.s32 s0, $0x0;
	_ =	strace $0x9000004A  }
0x4a: {  	s0 =	sadd.s32 @!p0 $0x100000, s1;
	[bflag:$0x2] =	sbarrier.arrive $0xFFFF  }
0x4b: {  	[sflag:s0] =	ssyncadd.tile.s32 @!p0 $0x1;
	_ =	shalt  }
.Lfunc_end1:
_tile_overlayer_lowered:
.L_overlay_start_2:
0x4c: {  	(tag) =	ssettag $0x2  }
0x4d: {  	s0 =	rddreg [dreg:$0x0];
	s2 =	stileid.u32  }
0x4e: {  	s1 =	rddreg [dreg:$0x1];
	p0 =	sne.s32 s2, $0x0  }
0x4f: {  	s3 =	rddreg [dreg:$0x2];
	[bflag:$0x3] =	sbarrier.arrive $0xFFFF;
	s2 =	simm.s32 @!p0 $0x1C01  }
0x50: {  	[timem:s3], [sflag:s2] =	dma.local @!p0 [hbm:s0], s1  }
0x51: {  	s0 =	simm.s32 @!p0 $0x1  }
0x52: {  	_ =	swait.ge @!p0 [sflag:s0], s1  }
0x53: {  	s1 =	ssub.s32 @!p0 $0x0, s1;
	[sflag:s0] =	ssyncset.done @!p0 $0x0  }
0x54: {  	[sflag:s0] =	ssyncadd.s32 @!p0 s1  }
0x55: {  	[bflag:$0x3] =	sbarrier.arrive $0xFFFF  }
0x56: {  	_ =	shalt  }

</sc_bundles>
